<compile_context>
chip_gen: v7x
topology: tpu7x:2x2x1
jax: 0.10.2.dev20260603
libtpu: 0.0.44.dev20260713+nightly
codegen_flags: <defaults>
</compile_context>

<pallas_src>
import jax
import jax.numpy as jnp
from jax import lax
from jax.experimental import pallas as pl
from jax.experimental.pallas import tpu as pltpu
from jax.experimental.pallas import tpu_sc as plsc

EMBED = 16
BIASN = 5
BATCH = 16384
VOCAB = 1000000
NCORES = 2
NSUBCORES = 16
NWORKERS = NCORES * NSUBCORES
BPW = BATCH // NWORKERS
BLK = 65536
NBLK = (VOCAB + BLK - 1) // BLK


def _em_body(src_ref, dst_ref, *plane_refs):
    x = src_ref[...]
    dst_ref[...] = x
    for d in range(EMBED):
        plane_refs[d][...] = jnp.reshape(x[d:d + 1, :], (BLK,))


def _em_pass(em_t):
    outs = pl.pallas_call(
        _em_body,
        grid=(NBLK,),
        in_specs=[pl.BlockSpec((EMBED, BLK), lambda g: (0, g))],
        out_specs=[pl.BlockSpec((EMBED, BLK), lambda g: (0, g))] + [
            pl.BlockSpec((BLK,), lambda g: (g,)) for _ in range(EMBED)],
        out_shape=[jax.ShapeDtypeStruct((EMBED, VOCAB), jnp.float32)] + [
            jax.ShapeDtypeStruct((VOCAB,), jnp.float32)
            for _ in range(EMBED)],
        compiler_params=pltpu.CompilerParams(
            dimension_semantics=("arbitrary",)),
    )(em_t)
    return outs[0], outs[1:]


def _sc_gather_body(*refs):
    planes = refs[:EMBED]
    idx_hbm = refs[EMBED]
    outs = refs[EMBED + 1:EMBED + 1 + EMBED]
    idx_v = refs[EMBED + 1 + EMBED]
    rvs = refs[EMBED + 2 + EMBED:EMBED + 2 + 2 * EMBED]
    sem = refs[-1]

    wid = lax.axis_index("s") * NCORES + lax.axis_index("c")
    base = wid * BPW
    pltpu.sync_copy(idx_hbm.at[pl.ds(base, BPW)], idx_v)
    handles = [pltpu.async_copy(planes[d].at[idx_v], rvs[d], sem)
               for d in range(EMBED)]
    for h in handles:
        h.wait()
    for d in range(EMBED):
        pltpu.sync_copy(rvs[d], outs[d].at[0, pl.ds(base, BPW)])


def _sc_gather(planes, idx):
    mesh = plsc.VectorSubcoreMesh(core_axis_name="c", subcore_axis_name="s")
    k = pl.kernel(
        _sc_gather_body,
        out_type=[jax.ShapeDtypeStruct((1, BATCH), jnp.float32)
                  for _ in range(EMBED)],
        mesh=mesh,
        scratch_types=[pltpu.VMEM((BPW,), jnp.int32)] + [
            pltpu.VMEM((BPW,), jnp.float32) for _ in range(EMBED)] + [
            pltpu.SemaphoreType.DMA],
        compiler_params=pltpu.CompilerParams(use_tc_tiling_on_sc=False),
    )
    return k(*planes, idx)


def _fused_body(ctx_sref, *refs):
    rows_refs = refs[:EMBED]
    labels_ref = refs[EMBED]
    em_blk = refs[EMBED + 1]
    bs_blk = refs[EMBED + 2]
    acc_ref = refs[EMBED + 3]
    em_out = refs[EMBED + 4]
    bs_out = refs[EMBED + 5]

    off = ctx_sref[0] % 128
    onehot = (lax.broadcasted_iota(jnp.int32, (128, 1), 0) == off
              ).astype(jnp.float32)
    ctx16 = lax.dot_general(em_blk[...], onehot, (((1,), (0,)), ((), ())),
                            preferred_element_type=jnp.float32)
    bctx = lax.dot_general(bs_blk[...], onehot, (((1,), (0,)), ((), ())),
                           preferred_element_type=jnp.float32)

    rows = jnp.concatenate([r[...] for r in rows_refs], axis=0)
    dots = lax.dot_general(ctx16, rows, (((0,), (0,)), ((), ())),
                           preferred_element_type=jnp.float32)
    labels = labels_ref[...]
    labels_f = labels.astype(jnp.float32)

    db = dots - bctx
    iota5 = lax.broadcasted_iota(jnp.int32, (BIASN, 1), 0)

    firstz = jnp.min(jnp.where(db <= 0, iota5, BIASN), axis=0, keepdims=True)
    p = jnp.where(firstz < BIASN, firstz + 1, BIASN + 1)
    acc_ref[0, 0] = jnp.sum((p == labels).astype(jnp.float32)) / BATCH

    ytp = iota5 < labels
    judge_pos = ((db > 0) & ytp) | ((db < 0) & (~ytp))
    tau = jnp.where(judge_pos, 0.0, labels_f)

    bu = jnp.sum(tau, axis=1, keepdims=True) / BATCH
    ts = jnp.sum(tau, axis=0, keepdims=True)
    wu = lax.dot_general(rows, ts, (((1,), (1,)), ((), ())),
                         preferred_element_type=jnp.float32) / BATCH

    m = (lax.broadcasted_iota(jnp.int32, (1, 128), 1) == off
         ).astype(jnp.float32)
    em_out[...] = em_blk[...] + wu * m
    bs_out[...] = bs_blk[...] - bu * m


def _fused(context_id, rows16, labels, em_copy, bs_t):
    n_in = EMBED + 4
    return pl.pallas_call(
        _fused_body,
        grid_spec=pltpu.PrefetchScalarGridSpec(
            num_scalar_prefetch=1,
            grid=(1,),
            in_specs=[pl.BlockSpec(memory_space=pltpu.VMEM)
                      for _ in range(EMBED + 1)] + [
                pl.BlockSpec((EMBED, 128), lambda g, c: (0, c[0] // 128)),
                pl.BlockSpec((BIASN, 128), lambda g, c: (0, c[0] // 128)),
            ],
            out_specs=[
                pl.BlockSpec(memory_space=pltpu.SMEM),
                pl.BlockSpec((EMBED, 128), lambda g, c: (0, c[0] // 128)),
                pl.BlockSpec((BIASN, 128), lambda g, c: (0, c[0] // 128)),
            ],
        ),
        out_shape=[
            jax.ShapeDtypeStruct((1, 1), jnp.float32),
            jax.ShapeDtypeStruct((EMBED, VOCAB), jnp.float32),
            jax.ShapeDtypeStruct((BIASN, VOCAB), jnp.float32),
        ],
        input_output_aliases={n_in - 2: 1, n_in - 1: 2},
    )(context_id, *rows16, labels, em_copy, bs_t)


def kernel(in_embed, in_bias, context_id, target_ids, labels):
    em_t = in_embed.T
    bs_t = in_bias.T
    tgt = target_ids.reshape(-1)
    em_copy, planes = _em_pass(em_t)
    rows16 = _sc_gather(planes, tgt)
    acc, em2, bs2 = _fused(context_id, rows16, labels.reshape(1, BATCH),
                           em_copy, bs_t)
    return acc.reshape(()), em2.T, bs2.T

# --- scband reference (transcript-rebuilt; emitter-appended) ---
"""Pipeline reference for scband-prank-41351945126167 (READ-ONLY COPY).

The authoritative reference and input builder live on the scoring server;
editing this copy changes nothing except your own understanding.
"""

import jax, jax.numpy as jnp
import numpy as np

WORD_NUMBER = 1000000
EMBED_SIZE = 16
BIAS_NUMBER = 6 - 1  # module stores bias_number - 1 internally
BATCH = 16384


def setup_inputs(seed: int = 0) -> dict:
    key = jax.random.key(seed)
    k1, k2, k3, k4 = jax.random.split(key, 4)
    in_embed = jax.random.uniform(k1, (WORD_NUMBER, EMBED_SIZE), dtype=jnp.float32)  # torch.rand
    in_bias = jnp.zeros((WORD_NUMBER, BIAS_NUMBER), dtype=jnp.float32)
    context_id = jax.random.randint(k2, (1,), 0, WORD_NUMBER)
    target_ids = jax.random.randint(k3, (1, BATCH), 0, WORD_NUMBER)
    labels = jax.random.randint(k4, (1, BATCH), 0, 7)
    return {"in_embed": in_embed, "in_bias": in_bias, "context_id": context_id,
            "target_ids": target_ids, "labels": labels}


def reference(in_embed, in_bias, context_id, target_ids, labels):
    bias_number = in_bias.shape[1]
    target_ids = target_ids.reshape(-1)
    labels = labels.reshape(-1)

    context_embedding = in_embed[context_id]            # [1, d] gather
    target_bias = in_bias[context_id]                   # [1, b] gather
    target_embeddings = in_embed[target_ids]            # [B, d] gather

    dots = context_embedding @ target_embeddings.T      # [1, B]
    dots_bias = dots.reshape(-1, 1) - target_bias       # [B, b] (broadcast == repeat)

    # predicted_labels (vectorized version of the per-row loop)
    temp_dots = jnp.where(dots_bias < 0, jnp.zeros_like(dots_bias), dots_bias)
    zero_mask = temp_dots == 0
    has_zero = jnp.any(zero_mask, axis=1)
    first_zero = jnp.argmax(zero_mask, axis=1)
    p_labels = jnp.where(has_zero, first_zero + 1, bias_number + 1)

    acc = jnp.mean((p_labels == labels).astype(jnp.float32))

    # generate_yt
    yt = jnp.where(jnp.arange(bias_number)[None, :] < labels[:, None], 1.0, -1.0).astype(jnp.float32)
    judge_matrix = dots_bias * yt
    tau = jnp.repeat(labels[:, None].astype(jnp.float32), bias_number, axis=1)
    tau = jnp.where(judge_matrix > 0, jnp.zeros_like(tau), tau)

    bias_update = jnp.mean(tau, axis=0)[None, :]                                   # [1, b]
    weight_update = jnp.mean(tau.sum(axis=1)[:, None] * target_embeddings, axis=0)[None, :]  # [1, d]

    # in-place PRank updates -> scatter add / scatter overwrite
    new_in_embed = in_embed.at[context_id].add(weight_update)
    new_in_bias = in_bias.at[context_id].add(-bias_update)
    return acc, new_in_embed, new_in_bias

if __name__ == "__main__":
    import jax
    _d = setup_inputs()
    print(jax.jit(kernel)(*tuple(_d.values())))

</pallas_src>

<mosaic_0001>
#map = affine_map<(d0, d1) -> (0)>
#map1 = affine_map<(d0, d1) -> (0, 0)>
module attributes {stable_mosaic.version = 14 : i64} {
  func.func @_sc_gather_body(%arg0: i32, %arg1: i32, %arg2: memref<1000000xf32, #tpu.memory_space<hbm>>, %arg3: memref<1000000xf32, #tpu.memory_space<hbm>>, %arg4: memref<1000000xf32, #tpu.memory_space<hbm>>, %arg5: memref<1000000xf32, #tpu.memory_space<hbm>>, %arg6: memref<1000000xf32, #tpu.memory_space<hbm>>, %arg7: memref<1000000xf32, #tpu.memory_space<hbm>>, %arg8: memref<1000000xf32, #tpu.memory_space<hbm>>, %arg9: memref<1000000xf32, #tpu.memory_space<hbm>>, %arg10: memref<1000000xf32, #tpu.memory_space<hbm>>, %arg11: memref<1000000xf32, #tpu.memory_space<hbm>>, %arg12: memref<1000000xf32, #tpu.memory_space<hbm>>, %arg13: memref<1000000xf32, #tpu.memory_space<hbm>>, %arg14: memref<1000000xf32, #tpu.memory_space<hbm>>, %arg15: memref<1000000xf32, #tpu.memory_space<hbm>>, %arg16: memref<1000000xf32, #tpu.memory_space<hbm>>, %arg17: memref<1000000xf32, #tpu.memory_space<hbm>>, %arg18: memref<16384xi32, #tpu.memory_space<hbm>>, %arg19: memref<1x16384xf32, #tpu.memory_space<hbm>>, %arg20: memref<1x16384xf32, #tpu.memory_space<hbm>>, %arg21: memref<1x16384xf32, #tpu.memory_space<hbm>>, %arg22: memref<1x16384xf32, #tpu.memory_space<hbm>>, %arg23: memref<1x16384xf32, #tpu.memory_space<hbm>>, %arg24: memref<1x16384xf32, #tpu.memory_space<hbm>>, %arg25: memref<1x16384xf32, #tpu.memory_space<hbm>>, %arg26: memref<1x16384xf32, #tpu.memory_space<hbm>>, %arg27: memref<1x16384xf32, #tpu.memory_space<hbm>>, %arg28: memref<1x16384xf32, #tpu.memory_space<hbm>>, %arg29: memref<1x16384xf32, #tpu.memory_space<hbm>>, %arg30: memref<1x16384xf32, #tpu.memory_space<hbm>>, %arg31: memref<1x16384xf32, #tpu.memory_space<hbm>>, %arg32: memref<1x16384xf32, #tpu.memory_space<hbm>>, %arg33: memref<1x16384xf32, #tpu.memory_space<hbm>>, %arg34: memref<1x16384xf32, #tpu.memory_space<hbm>>, %arg35: memref<512xi32, #tpu.memory_space<vmem>>, %arg36: memref<512xf32, #tpu.memory_space<vmem>>, %arg37: memref<512xf32, #tpu.memory_space<vmem>>, %arg38: memref<512xf32, #tpu.memory_space<vmem>>, %arg39: memref<512xf32, #tpu.memory_space<vmem>>, %arg40: memref<512xf32, #tpu.memory_space<vmem>>, %arg41: memref<512xf32, #tpu.memory_space<vmem>>, %arg42: memref<512xf32, #tpu.memory_space<vmem>>, %arg43: memref<512xf32, #tpu.memory_space<vmem>>, %arg44: memref<512xf32, #tpu.memory_space<vmem>>, %arg45: memref<512xf32, #tpu.memory_space<vmem>>, %arg46: memref<512xf32, #tpu.memory_space<vmem>>, %arg47: memref<512xf32, #tpu.memory_space<vmem>>, %arg48: memref<512xf32, #tpu.memory_space<vmem>>, %arg49: memref<512xf32, #tpu.memory_space<vmem>>, %arg50: memref<512xf32, #tpu.memory_space<vmem>>, %arg51: memref<512xf32, #tpu.memory_space<vmem>>, %arg52: memref<!tpu.dma_semaphore, #tpu.memory_space<semaphore_mem>>) attributes {dimension_semantics = [#tpu.dimension_semantics<core_parallel>, #tpu.dimension_semantics<subcore_parallel>], iteration_bounds = array<i64: 2, 16>, scalar_prefetch = 0 : i64, scratch_operands = 18 : i64, tpu.core_type = #tpu.core_type<sc_vector_subcore>, window_params = [{transform_indices = #map}, {transform_indices = #map}, {transform_indices = #map}, {transform_indices = #map}, {transform_indices = #map}, {transform_indices = #map}, {transform_indices = #map}, {transform_indices = #map}, {transform_indices = #map}, {transform_indices = #map}, {transform_indices = #map}, {transform_indices = #map}, {transform_indices = #map}, {transform_indices = #map}, {transform_indices = #map}, {transform_indices = #map}, {transform_indices = #map}, {transform_indices = #map1}, {transform_indices = #map1}, {transform_indices = #map1}, {transform_indices = #map1}, {transform_indices = #map1}, {transform_indices = #map1}, {transform_indices = #map1}, {transform_indices = #map1}, {transform_indices = #map1}, {transform_indices = #map1}, {transform_indices = #map1}, {transform_indices = #map1}, {transform_indices = #map1}, {transform_indices = #map1}, {transform_indices = #map1}, {transform_indices = #map1}]} {
    %mul3A = arith.constant 2 : i32
    %mul3A_0 = arith.muli %arg1, %mul3A : i32
    %add3A = arith.addi %mul3A_0, %arg0 : i32
    %mul3A_1 = arith.constant 512 : i32
    %mul3A_2 = arith.muli %add3A, %mul3A_1 : i32
    "tpu.region"() ({
      %run_scoped3A_80 = tpu.sem_alloc : memref<!tpu.dma_semaphore, #tpu.memory_space<semaphore_mem>>
      %dma_start3A_81 = tpu.memref_slice %arg18[%mul3A_2] : memref<16384xi32, #tpu.memory_space<hbm>> -> memref<512xi32, #tpu.memory_space<hbm>>
      %dma_start3A_82 = tpu.memref_slice %arg18[%mul3A_2] : memref<16384xi32, #tpu.memory_space<hbm>> -> memref<512xi32, #tpu.memory_space<hbm>>
      tpu.enqueue_dma source(%dma_start3A_82 : memref<512xi32, #tpu.memory_space<hbm>>) target(%arg35 : memref<512xi32, #tpu.memory_space<vmem>>) target_semaphore(%run_scoped3A_80 : memref<!tpu.dma_semaphore, #tpu.memory_space<semaphore_mem>>)
      %dma_wait3A_83 = tpu.memref_slice %arg18[%mul3A_2] : memref<16384xi32, #tpu.memory_space<hbm>> -> memref<512xi32, #tpu.memory_space<hbm>>
      %dma_wait3A_84 = tpu.memref_slice %arg18[%mul3A_2] : memref<16384xi32, #tpu.memory_space<hbm>> -> memref<512xi32, #tpu.memory_space<hbm>>
      tpu.wait_dma2 semaphore(%run_scoped3A_80 : memref<!tpu.dma_semaphore, #tpu.memory_space<semaphore_mem>>) src(%dma_wait3A_84 : memref<512xi32, #tpu.memory_space<hbm>>) dst(%arg35 : memref<512xi32, #tpu.memory_space<vmem>>)
      tpu.yield
    }) : () -> ()
    %dma_start3A = arith.constant 0 : i32
    %dma_start3A_3 = tpu.memref_slice %arg2[%dma_start3A] : memref<1000000xf32, #tpu.memory_space<hbm>> -> memref<1000000xf32, #tpu.memory_space<hbm>>
    tpu.enqueue_indirect_dma source(%dma_start3A_3 : memref<1000000xf32, #tpu.memory_space<hbm>>) target(%arg36 : memref<512xf32, #tpu.memory_space<vmem>>) offsets(%arg35 : memref<512xi32, #tpu.memory_space<vmem>>) semaphore(%arg52 : memref<!tpu.dma_semaphore, #tpu.memory_space<semaphore_mem>>)
    %dma_start3A_4 = arith.constant 0 : i32
    %dma_start3A_5 = tpu.memref_slice %arg3[%dma_start3A_4] : memref<1000000xf32, #tpu.memory_space<hbm>> -> memref<1000000xf32, #tpu.memory_space<hbm>>
    tpu.enqueue_indirect_dma source(%dma_start3A_5 : memref<1000000xf32, #tpu.memory_space<hbm>>) target(%arg37 : memref<512xf32, #tpu.memory_space<vmem>>) offsets(%arg35 : memref<512xi32, #tpu.memory_space<vmem>>) semaphore(%arg52 : memref<!tpu.dma_semaphore, #tpu.memory_space<semaphore_mem>>)
    %dma_start3A_6 = arith.constant 0 : i32
    %dma_start3A_7 = tpu.memref_slice %arg4[%dma_start3A_6] : memref<1000000xf32, #tpu.memory_space<hbm>> -> memref<1000000xf32, #tpu.memory_space<hbm>>
    tpu.enqueue_indirect_dma source(%dma_start3A_7 : memref<1000000xf32, #tpu.memory_space<hbm>>) target(%arg38 : memref<512xf32, #tpu.memory_space<vmem>>) offsets(%arg35 : memref<512xi32, #tpu.memory_space<vmem>>) semaphore(%arg52 : memref<!tpu.dma_semaphore, #tpu.memory_space<semaphore_mem>>)
    %dma_start3A_8 = arith.constant 0 : i32
    %dma_start3A_9 = tpu.memref_slice %arg5[%dma_start3A_8] : memref<1000000xf32, #tpu.memory_space<hbm>> -> memref<1000000xf32, #tpu.memory_space<hbm>>
    tpu.enqueue_indirect_dma source(%dma_start3A_9 : memref<1000000xf32, #tpu.memory_space<hbm>>) target(%arg39 : memref<512xf32, #tpu.memory_space<vmem>>) offsets(%arg35 : memref<512xi32, #tpu.memory_space<vmem>>) semaphore(%arg52 : memref<!tpu.dma_semaphore, #tpu.memory_space<semaphore_mem>>)
    %dma_start3A_10 = arith.constant 0 : i32
    %dma_start3A_11 = tpu.memref_slice %arg6[%dma_start3A_10] : memref<1000000xf32, #tpu.memory_space<hbm>> -> memref<1000000xf32, #tpu.memory_space<hbm>>
    tpu.enqueue_indirect_dma source(%dma_start3A_11 : memref<1000000xf32, #tpu.memory_space<hbm>>) target(%arg40 : memref<512xf32, #tpu.memory_space<vmem>>) offsets(%arg35 : memref<512xi32, #tpu.memory_space<vmem>>) semaphore(%arg52 : memref<!tpu.dma_semaphore, #tpu.memory_space<semaphore_mem>>)
    %dma_start3A_12 = arith.constant 0 : i32
    %dma_start3A_13 = tpu.memref_slice %arg7[%dma_start3A_12] : memref<1000000xf32, #tpu.memory_space<hbm>> -> memref<1000000xf32, #tpu.memory_space<hbm>>
    tpu.enqueue_indirect_dma source(%dma_start3A_13 : memref<1000000xf32, #tpu.memory_space<hbm>>) target(%arg41 : memref<512xf32, #tpu.memory_space<vmem>>) offsets(%arg35 : memref<512xi32, #tpu.memory_space<vmem>>) semaphore(%arg52 : memref<!tpu.dma_semaphore, #tpu.memory_space<semaphore_mem>>)
    %dma_start3A_14 = arith.constant 0 : i32
    %dma_start3A_15 = tpu.memref_slice %arg8[%dma_start3A_14] : memref<1000000xf32, #tpu.memory_space<hbm>> -> memref<1000000xf32, #tpu.memory_space<hbm>>
    tpu.enqueue_indirect_dma source(%dma_start3A_15 : memref<1000000xf32, #tpu.memory_space<hbm>>) target(%arg42 : memref<512xf32, #tpu.memory_space<vmem>>) offsets(%arg35 : memref<512xi32, #tpu.memory_space<vmem>>) semaphore(%arg52 : memref<!tpu.dma_semaphore, #tpu.memory_space<semaphore_mem>>)
    %dma_start3A_16 = arith.constant 0 : i32
    %dma_start3A_17 = tpu.memref_slice %arg9[%dma_start3A_16] : memref<1000000xf32, #tpu.memory_space<hbm>> -> memref<1000000xf32, #tpu.memory_space<hbm>>
    tpu.enqueue_indirect_dma source(%dma_start3A_17 : memref<1000000xf32, #tpu.memory_space<hbm>>) target(%arg43 : memref<512xf32, #tpu.memory_space<vmem>>) offsets(%arg35 : memref<512xi32, #tpu.memory_space<vmem>>) semaphore(%arg52 : memref<!tpu.dma_semaphore, #tpu.memory_space<semaphore_mem>>)
    %dma_start3A_18 = arith.constant 0 : i32
    %dma_start3A_19 = tpu.memref_slice %arg10[%dma_start3A_18] : memref<1000000xf32, #tpu.memory_space<hbm>> -> memref<1000000xf32, #tpu.memory_space<hbm>>
    tpu.enqueue_indirect_dma source(%dma_start3A_19 : memref<1000000xf32, #tpu.memory_space<hbm>>) target(%arg44 : memref<512xf32, #tpu.memory_space<vmem>>) offsets(%arg35 : memref<512xi32, #tpu.memory_space<vmem>>) semaphore(%arg52 : memref<!tpu.dma_semaphore, #tpu.memory_space<semaphore_mem>>)
    %dma_start3A_20 = arith.constant 0 : i32
    %dma_start3A_21 = tpu.memref_slice %arg11[%dma_start3A_20] : memref<1000000xf32, #tpu.memory_space<hbm>> -> memref<1000000xf32, #tpu.memory_space<hbm>>
    tpu.enqueue_indirect_dma source(%dma_start3A_21 : memref<1000000xf32, #tpu.memory_space<hbm>>) target(%arg45 : memref<512xf32, #tpu.memory_space<vmem>>) offsets(%arg35 : memref<512xi32, #tpu.memory_space<vmem>>) semaphore(%arg52 : memref<!tpu.dma_semaphore, #tpu.memory_space<semaphore_mem>>)
    %dma_start3A_22 = arith.constant 0 : i32
    %dma_start3A_23 = tpu.memref_slice %arg12[%dma_start3A_22] : memref<1000000xf32, #tpu.memory_space<hbm>> -> memref<1000000xf32, #tpu.memory_space<hbm>>
    tpu.enqueue_indirect_dma source(%dma_start3A_23 : memref<1000000xf32, #tpu.memory_space<hbm>>) target(%arg46 : memref<512xf32, #tpu.memory_space<vmem>>) offsets(%arg35 : memref<512xi32, #tpu.memory_space<vmem>>) semaphore(%arg52 : memref<!tpu.dma_semaphore, #tpu.memory_space<semaphore_mem>>)
    %dma_start3A_24 = arith.constant 0 : i32
    %dma_start3A_25 = tpu.memref_slice %arg13[%dma_start3A_24] : memref<1000000xf32, #tpu.memory_space<hbm>> -> memref<1000000xf32, #tpu.memory_space<hbm>>
    tpu.enqueue_indirect_dma source(%dma_start3A_25 : memref<1000000xf32, #tpu.memory_space<hbm>>) target(%arg47 : memref<512xf32, #tpu.memory_space<vmem>>) offsets(%arg35 : memref<512xi32, #tpu.memory_space<vmem>>) semaphore(%arg52 : memref<!tpu.dma_semaphore, #tpu.memory_space<semaphore_mem>>)
    %dma_start3A_26 = arith.constant 0 : i32
    %dma_start3A_27 = tpu.memref_slice %arg14[%dma_start3A_26] : memref<1000000xf32, #tpu.memory_space<hbm>> -> memref<1000000xf32, #tpu.memory_space<hbm>>
    tpu.enqueue_indirect_dma source(%dma_start3A_27 : memref<1000000xf32, #tpu.memory_space<hbm>>) target(%arg48 : memref<512xf32, #tpu.memory_space<vmem>>) offsets(%arg35 : memref<512xi32, #tpu.memory_space<vmem>>) semaphore(%arg52 : memref<!tpu.dma_semaphore, #tpu.memory_space<semaphore_mem>>)
    %dma_start3A_28 = arith.constant 0 : i32
    %dma_start3A_29 = tpu.memref_slice %arg15[%dma_start3A_28] : memref<1000000xf32, #tpu.memory_space<hbm>> -> memref<1000000xf32, #tpu.memory_space<hbm>>
    tpu.enqueue_indirect_dma source(%dma_start3A_29 : memref<1000000xf32, #tpu.memory_space<hbm>>) target(%arg49 : memref<512xf32, #tpu.memory_space<vmem>>) offsets(%arg35 : memref<512xi32, #tpu.memory_space<vmem>>) semaphore(%arg52 : memref<!tpu.dma_semaphore, #tpu.memory_space<semaphore_mem>>)
    %dma_start3A_30 = arith.constant 0 : i32
    %dma_start3A_31 = tpu.memref_slice %arg16[%dma_start3A_30] : memref<1000000xf32, #tpu.memory_space<hbm>> -> memref<1000000xf32, #tpu.memory_space<hbm>>
    tpu.enqueue_indirect_dma source(%dma_start3A_31 : memref<1000000xf32, #tpu.memory_space<hbm>>) target(%arg50 : memref<512xf32, #tpu.memory_space<vmem>>) offsets(%arg35 : memref<512xi32, #tpu.memory_space<vmem>>) semaphore(%arg52 : memref<!tpu.dma_semaphore, #tpu.memory_space<semaphore_mem>>)
    %dma_start3A_32 = arith.constant 0 : i32
    %dma_start3A_33 = tpu.memref_slice %arg17[%dma_start3A_32] : memref<1000000xf32, #tpu.memory_space<hbm>> -> memref<1000000xf32, #tpu.memory_space<hbm>>
    tpu.enqueue_indirect_dma source(%dma_start3A_33 : memref<1000000xf32, #tpu.memory_space<hbm>>) target(%arg51 : memref<512xf32, #tpu.memory_space<vmem>>) offsets(%arg35 : memref<512xi32, #tpu.memory_space<vmem>>) semaphore(%arg52 : memref<!tpu.dma_semaphore, #tpu.memory_space<semaphore_mem>>)
    %dma_wait3A = arith.constant 0 : i32
    %dma_wait3A_34 = tpu.memref_slice %arg2[%dma_wait3A] : memref<1000000xf32, #tpu.memory_space<hbm>> -> memref<1000000xf32, #tpu.memory_space<hbm>>
    tpu.wait_indirect_dma semaphore(%arg52 : memref<!tpu.dma_semaphore, #tpu.memory_space<semaphore_mem>>) src(%dma_wait3A_34 : memref<1000000xf32, #tpu.memory_space<hbm>>) dst(%arg36 : memref<512xf32, #tpu.memory_space<vmem>>)
    %dma_wait3A_35 = arith.constant 0 : i32
    %dma_wait3A_36 = tpu.memref_slice %arg3[%dma_wait3A_35] : memref<1000000xf32, #tpu.memory_space<hbm>> -> memref<1000000xf32, #tpu.memory_space<hbm>>
    tpu.wait_indirect_dma semaphore(%arg52 : memref<!tpu.dma_semaphore, #tpu.memory_space<semaphore_mem>>) src(%dma_wait3A_36 : memref<1000000xf32, #tpu.memory_space<hbm>>) dst(%arg37 : memref<512xf32, #tpu.memory_space<vmem>>)
    %dma_wait3A_37 = arith.constant 0 : i32
    %dma_wait3A_38 = tpu.memref_slice %arg4[%dma_wait3A_37] : memref<1000000xf32, #tpu.memory_space<hbm>> -> memref<1000000xf32, #tpu.memory_space<hbm>>
    tpu.wait_indirect_dma semaphore(%arg52 : memref<!tpu.dma_semaphore, #tpu.memory_space<semaphore_mem>>) src(%dma_wait3A_38 : memref<1000000xf32, #tpu.memory_space<hbm>>) dst(%arg38 : memref<512xf32, #tpu.memory_space<vmem>>)
    %dma_wait3A_39 = arith.constant 0 : i32
    %dma_wait3A_40 = tpu.memref_slice %arg5[%dma_wait3A_39] : memref<1000000xf32, #tpu.memory_space<hbm>> -> memref<1000000xf32, #tpu.memory_space<hbm>>
    tpu.wait_indirect_dma semaphore(%arg52 : memref<!tpu.dma_semaphore, #tpu.memory_space<semaphore_mem>>) src(%dma_wait3A_40 : memref<1000000xf32, #tpu.memory_space<hbm>>) dst(%arg39 : memref<512xf32, #tpu.memory_space<vmem>>)
    %dma_wait3A_41 = arith.constant 0 : i32
    %dma_wait3A_42 = tpu.memref_slice %arg6[%dma_wait3A_41] : memref<1000000xf32, #tpu.memory_space<hbm>> -> memref<1000000xf32, #tpu.memory_space<hbm>>
    tpu.wait_indirect_dma semaphore(%arg52 : memref<!tpu.dma_semaphore, #tpu.memory_space<semaphore_mem>>) src(%dma_wait3A_42 : memref<1000000xf32, #tpu.memory_space<hbm>>) dst(%arg40 : memref<512xf32, #tpu.memory_space<vmem>>)
    %dma_wait3A_43 = arith.constant 0 : i32
    %dma_wait3A_44 = tpu.memref_slice %arg7[%dma_wait3A_43] : memref<1000000xf32, #tpu.memory_space<hbm>> -> memref<1000000xf32, #tpu.memory_space<hbm>>
    tpu.wait_indirect_dma semaphore(%arg52 : memref<!tpu.dma_semaphore, #tpu.memory_space<semaphore_mem>>) src(%dma_wait3A_44 : memref<1000000xf32, #tpu.memory_space<hbm>>) dst(%arg41 : memref<512xf32, #tpu.memory_space<vmem>>)
    %dma_wait3A_45 = arith.constant 0 : i32
    %dma_wait3A_46 = tpu.memref_slice %arg8[%dma_wait3A_45] : memref<1000000xf32, #tpu.memory_space<hbm>> -> memref<1000000xf32, #tpu.memory_space<hbm>>
    tpu.wait_indirect_dma semaphore(%arg52 : memref<!tpu.dma_semaphore, #tpu.memory_space<semaphore_mem>>) src(%dma_wait3A_46 : memref<1000000xf32, #tpu.memory_space<hbm>>) dst(%arg42 : memref<512xf32, #tpu.memory_space<vmem>>)
    %dma_wait3A_47 = arith.constant 0 : i32
    %dma_wait3A_48 = tpu.memref_slice %arg9[%dma_wait3A_47] : memref<1000000xf32, #tpu.memory_space<hbm>> -> memref<1000000xf32, #tpu.memory_space<hbm>>
    tpu.wait_indirect_dma semaphore(%arg52 : memref<!tpu.dma_semaphore, #tpu.memory_space<semaphore_mem>>) src(%dma_wait3A_48 : memref<1000000xf32, #tpu.memory_space<hbm>>) dst(%arg43 : memref<512xf32, #tpu.memory_space<vmem>>)
    %dma_wait3A_49 = arith.constant 0 : i32
    %dma_wait3A_50 = tpu.memref_slice %arg10[%dma_wait3A_49] : memref<1000000xf32, #tpu.memory_space<hbm>> -> memref<1000000xf32, #tpu.memory_space<hbm>>
    tpu.wait_indirect_dma semaphore(%arg52 : memref<!tpu.dma_semaphore, #tpu.memory_space<semaphore_mem>>) src(%dma_wait3A_50 : memref<1000000xf32, #tpu.memory_space<hbm>>) dst(%arg44 : memref<512xf32, #tpu.memory_space<vmem>>)
    %dma_wait3A_51 = arith.constant 0 : i32
    %dma_wait3A_52 = tpu.memref_slice %arg11[%dma_wait3A_51] : memref<1000000xf32, #tpu.memory_space<hbm>> -> memref<1000000xf32, #tpu.memory_space<hbm>>
    tpu.wait_indirect_dma semaphore(%arg52 : memref<!tpu.dma_semaphore, #tpu.memory_space<semaphore_mem>>) src(%dma_wait3A_52 : memref<1000000xf32, #tpu.memory_space<hbm>>) dst(%arg45 : memref<512xf32, #tpu.memory_space<vmem>>)
    %dma_wait3A_53 = arith.constant 0 : i32
    %dma_wait3A_54 = tpu.memref_slice %arg12[%dma_wait3A_53] : memref<1000000xf32, #tpu.memory_space<hbm>> -> memref<1000000xf32, #tpu.memory_space<hbm>>
    tpu.wait_indirect_dma semaphore(%arg52 : memref<!tpu.dma_semaphore, #tpu.memory_space<semaphore_mem>>) src(%dma_wait3A_54 : memref<1000000xf32, #tpu.memory_space<hbm>>) dst(%arg46 : memref<512xf32, #tpu.memory_space<vmem>>)
    %dma_wait3A_55 = arith.constant 0 : i32
    %dma_wait3A_56 = tpu.memref_slice %arg13[%dma_wait3A_55] : memref<1000000xf32, #tpu.memory_space<hbm>> -> memref<1000000xf32, #tpu.memory_space<hbm>>
    tpu.wait_indirect_dma semaphore(%arg52 : memref<!tpu.dma_semaphore, #tpu.memory_space<semaphore_mem>>) src(%dma_wait3A_56 : memref<1000000xf32, #tpu.memory_space<hbm>>) dst(%arg47 : memref<512xf32, #tpu.memory_space<vmem>>)
    %dma_wait3A_57 = arith.constant 0 : i32
    %dma_wait3A_58 = tpu.memref_slice %arg14[%dma_wait3A_57] : memref<1000000xf32, #tpu.memory_space<hbm>> -> memref<1000000xf32, #tpu.memory_space<hbm>>
    tpu.wait_indirect_dma semaphore(%arg52 : memref<!tpu.dma_semaphore, #tpu.memory_space<semaphore_mem>>) src(%dma_wait3A_58 : memref<1000000xf32, #tpu.memory_space<hbm>>) dst(%arg48 : memref<512xf32, #tpu.memory_space<vmem>>)
    %dma_wait3A_59 = arith.constant 0 : i32
    %dma_wait3A_60 = tpu.memref_slice %arg15[%dma_wait3A_59] : memref<1000000xf32, #tpu.memory_space<hbm>> -> memref<1000000xf32, #tpu.memory_space<hbm>>
    tpu.wait_indirect_dma semaphore(%arg52 : memref<!tpu.dma_semaphore, #tpu.memory_space<semaphore_mem>>) src(%dma_wait3A_60 : memref<1000000xf32, #tpu.memory_space<hbm>>) dst(%arg49 : memref<512xf32, #tpu.memory_space<vmem>>)
    %dma_wait3A_61 = arith.constant 0 : i32
    %dma_wait3A_62 = tpu.memref_slice %arg16[%dma_wait3A_61] : memref<1000000xf32, #tpu.memory_space<hbm>> -> memref<1000000xf32, #tpu.memory_space<hbm>>
    tpu.wait_indirect_dma semaphore(%arg52 : memref<!tpu.dma_semaphore, #tpu.memory_space<semaphore_mem>>) src(%dma_wait3A_62 : memref<1000000xf32, #tpu.memory_space<hbm>>) dst(%arg50 : memref<512xf32, #tpu.memory_space<vmem>>)
    %dma_wait3A_63 = arith.constant 0 : i32
    %dma_wait3A_64 = tpu.memref_slice %arg17[%dma_wait3A_63] : memref<1000000xf32, #tpu.memory_space<hbm>> -> memref<1000000xf32, #tpu.memory_space<hbm>>
    tpu.wait_indirect_dma semaphore(%arg52 : memref<!tpu.dma_semaphore, #tpu.memory_space<semaphore_mem>>) src(%dma_wait3A_64 : memref<1000000xf32, #tpu.memory_space<hbm>>) dst(%arg51 : memref<512xf32, #tpu.memory_space<vmem>>)
    %run_scoped3A = arith.constant 0 : i32
    "tpu.region"() ({
      %run_scoped3A_80 = tpu.sem_alloc : memref<!tpu.dma_semaphore, #tpu.memory_space<semaphore_mem>>
      %dma_start3A_81 = tpu.memref_slice %arg19[%run_scoped3A, %mul3A_2] : memref<1x16384xf32, #tpu.memory_space<hbm>> -> memref<1x512xf32, #tpu.memory_space<hbm>>
      %dma_start3A_82 = tpu.memref_squeeze %dma_start3A_81 : memref<1x512xf32, #tpu.memory_space<hbm>> -> memref<512xf32, #tpu.memory_space<hbm>>
      %dma_start3A_83 = tpu.memref_slice %arg19[%run_scoped3A, %mul3A_2] : memref<1x16384xf32, #tpu.memory_space<hbm>> -> memref<1x512xf32, #tpu.memory_space<hbm>>
      %dma_start3A_84 = tpu.memref_squeeze %dma_start3A_83 : memref<1x512xf32, #tpu.memory_space<hbm>> -> memref<512xf32, #tpu.memory_space<hbm>>
      tpu.enqueue_dma source(%arg36 : memref<512xf32, #tpu.memory_space<vmem>>) target(%dma_start3A_84 : memref<512xf32, #tpu.memory_space<hbm>>) target_semaphore(%run_scoped3A_80 : memref<!tpu.dma_semaphore, #tpu.memory_space<semaphore_mem>>)
      %dma_wait3A_85 = tpu.memref_slice %arg19[%run_scoped3A, %mul3A_2] : memref<1x16384xf32, #tpu.memory_space<hbm>> -> memref<1x512xf32, #tpu.memory_space<hbm>>
      %dma_wait3A_86 = tpu.memref_squeeze %dma_wait3A_85 : memref<1x512xf32, #tpu.memory_space<hbm>> -> memref<512xf32, #tpu.memory_space<hbm>>
      %dma_wait3A_87 = tpu.memref_slice %arg19[%run_scoped3A, %mul3A_2] : memref<1x16384xf32, #tpu.memory_space<hbm>> -> memref<1x512xf32, #tpu.memory_space<hbm>>
      %dma_wait3A_88 = tpu.memref_squeeze %dma_wait3A_87 : memref<1x512xf32, #tpu.memory_space<hbm>> -> memref<512xf32, #tpu.memory_space<hbm>>
      tpu.wait_dma2 semaphore(%run_scoped3A_80 : memref<!tpu.dma_semaphore, #tpu.memory_space<semaphore_mem>>) src(%arg36 : memref<512xf32, #tpu.memory_space<vmem>>) dst(%dma_wait3A_88 : memref<512xf32, #tpu.memory_space<hbm>>)
      tpu.yield
    }) : () -> ()
    %run_scoped3A_65 = arith.constant 0 : i32
    "tpu.region"() ({
      %run_scoped3A_80 = tpu.sem_alloc : memref<!tpu.dma_semaphore, #tpu.memory_space<semaphore_mem>>
      %dma_start3A_81 = tpu.memref_slice %arg20[%run_scoped3A_65, %mul3A_2] : memref<1x16384xf32, #tpu.memory_space<hbm>> -> memref<1x512xf32, #tpu.memory_space<hbm>>
      %dma_start3A_82 = tpu.memref_squeeze %dma_start3A_81 : memref<1x512xf32, #tpu.memory_space<hbm>> -> memref<512xf32, #tpu.memory_space<hbm>>
      %dma_start3A_83 = tpu.memref_slice %arg20[%run_scoped3A_65, %mul3A_2] : memref<1x16384xf32, #tpu.memory_space<hbm>> -> memref<1x512xf32, #tpu.memory_space<hbm>>
      %dma_start3A_84 = tpu.memref_squeeze %dma_start3A_83 : memref<1x512xf32, #tpu.memory_space<hbm>> -> memref<512xf32, #tpu.memory_space<hbm>>
      tpu.enqueue_dma source(%arg37 : memref<512xf32, #tpu.memory_space<vmem>>) target(%dma_start3A_84 : memref<512xf32, #tpu.memory_space<hbm>>) target_semaphore(%run_scoped3A_80 : memref<!tpu.dma_semaphore, #tpu.memory_space<semaphore_mem>>)
      %dma_wait3A_85 = tpu.memref_slice %arg20[%run_scoped3A_65, %mul3A_2] : memref<1x16384xf32, #tpu.memory_space<hbm>> -> memref<1x512xf32, #tpu.memory_space<hbm>>
      %dma_wait3A_86 = tpu.memref_squeeze %dma_wait3A_85 : memref<1x512xf32, #tpu.memory_space<hbm>> -> memref<512xf32, #tpu.memory_space<hbm>>
      %dma_wait3A_87 = tpu.memref_slice %arg20[%run_scoped3A_65, %mul3A_2] : memref<1x16384xf32, #tpu.memory_space<hbm>> -> memref<1x512xf32, #tpu.memory_space<hbm>>
      %dma_wait3A_88 = tpu.memref_squeeze %dma_wait3A_87 : memref<1x512xf32, #tpu.memory_space<hbm>> -> memref<512xf32, #tpu.memory_space<hbm>>
      tpu.wait_dma2 semaphore(%run_scoped3A_80 : memref<!tpu.dma_semaphore, #tpu.memory_space<semaphore_mem>>) src(%arg37 : memref<512xf32, #tpu.memory_space<vmem>>) dst(%dma_wait3A_88 : memref<512xf32, #tpu.memory_space<hbm>>)
      tpu.yield
    }) : () -> ()
    %run_scoped3A_66 = arith.constant 0 : i32
    "tpu.region"() ({
      %run_scoped3A_80 = tpu.sem_alloc : memref<!tpu.dma_semaphore, #tpu.memory_space<semaphore_mem>>
      %dma_start3A_81 = tpu.memref_slice %arg21[%run_scoped3A_66, %mul3A_2] : memref<1x16384xf32, #tpu.memory_space<hbm>> -> memref<1x512xf32, #tpu.memory_space<hbm>>
      %dma_start3A_82 = tpu.memref_squeeze %dma_start3A_81 : memref<1x512xf32, #tpu.memory_space<hbm>> -> memref<512xf32, #tpu.memory_space<hbm>>
      %dma_start3A_83 = tpu.memref_slice %arg21[%run_scoped3A_66, %mul3A_2] : memref<1x16384xf32, #tpu.memory_space<hbm>> -> memref<1x512xf32, #tpu.memory_space<hbm>>
      %dma_start3A_84 = tpu.memref_squeeze %dma_start3A_83 : memref<1x512xf32, #tpu.memory_space<hbm>> -> memref<512xf32, #tpu.memory_space<hbm>>
      tpu.enqueue_dma source(%arg38 : memref<512xf32, #tpu.memory_space<vmem>>) target(%dma_start3A_84 : memref<512xf32, #tpu.memory_space<hbm>>) target_semaphore(%run_scoped3A_80 : memref<!tpu.dma_semaphore, #tpu.memory_space<semaphore_mem>>)
      %dma_wait3A_85 = tpu.memref_slice %arg21[%run_scoped3A_66, %mul3A_2] : memref<1x16384xf32, #tpu.memory_space<hbm>> -> memref<1x512xf32, #tpu.memory_space<hbm>>
      %dma_wait3A_86 = tpu.memref_squeeze %dma_wait3A_85 : memref<1x512xf32, #tpu.memory_space<hbm>> -> memref<512xf32, #tpu.memory_space<hbm>>
      %dma_wait3A_87 = tpu.memref_slice %arg21[%run_scoped3A_66, %mul3A_2] : memref<1x16384xf32, #tpu.memory_space<hbm>> -> memref<1x512xf32, #tpu.memory_space<hbm>>
      %dma_wait3A_88 = tpu.memref_squeeze %dma_wait3A_87 : memref<1x512xf32, #tpu.memory_space<hbm>> -> memref<512xf32, #tpu.memory_space<hbm>>
      tpu.wait_dma2 semaphore(%run_scoped3A_80 : memref<!tpu.dma_semaphore, #tpu.memory_space<semaphore_mem>>) src(%arg38 : memref<512xf32, #tpu.memory_space<vmem>>) dst(%dma_wait3A_88 : memref<512xf32, #tpu.memory_space<hbm>>)
      tpu.yield
    }) : () -> ()
    %run_scoped3A_67 = arith.constant 0 : i32
    "tpu.region"() ({
      %run_scoped3A_80 = tpu.sem_alloc : memref<!tpu.dma_semaphore, #tpu.memory_space<semaphore_mem>>
      %dma_start3A_81 = tpu.memref_slice %arg22[%run_scoped3A_67, %mul3A_2] : memref<1x16384xf32, #tpu.memory_space<hbm>> -> memref<1x512xf32, #tpu.memory_space<hbm>>
      %dma_start3A_82 = tpu.memref_squeeze %dma_start3A_81 : memref<1x512xf32, #tpu.memory_space<hbm>> -> memref<512xf32, #tpu.memory_space<hbm>>
      %dma_start3A_83 = tpu.memref_slice %arg22[%run_scoped3A_67, %mul3A_2] : memref<1x16384xf32, #tpu.memory_space<hbm>> -> memref<1x512xf32, #tpu.memory_space<hbm>>
      %dma_start3A_84 = tpu.memref_squeeze %dma_start3A_83 : memref<1x512xf32, #tpu.memory_space<hbm>> -> memref<512xf32, #tpu.memory_space<hbm>>
      tpu.enqueue_dma source(%arg39 : memref<512xf32, #tpu.memory_space<vmem>>) target(%dma_start3A_84 : memref<512xf32, #tpu.memory_space<hbm>>) target_semaphore(%run_scoped3A_80 : memref<!tpu.dma_semaphore, #tpu.memory_space<semaphore_mem>>)
      %dma_wait3A_85 = tpu.memref_slice %arg22[%run_scoped3A_67, %mul3A_2] : memref<1x16384xf32, #tpu.memory_space<hbm>> -> memref<1x512xf32, #tpu.memory_space<hbm>>
      %dma_wait3A_86 = tpu.memref_squeeze %dma_wait3A_85 : memref<1x512xf32, #tpu.memory_space<hbm>> -> memref<512xf32, #tpu.memory_space<hbm>>
      %dma_wait3A_87 = tpu.memref_slice %arg22[%run_scoped3A_67, %mul3A_2] : memref<1x16384xf32, #tpu.memory_space<hbm>> -> memref<1x512xf32, #tpu.memory_space<hbm>>
      %dma_wait3A_88 = tpu.memref_squeeze %dma_wait3A_87 : memref<1x512xf32, #tpu.memory_space<hbm>> -> memref<512xf32, #tpu.memory_space<hbm>>
      tpu.wait_dma2 semaphore(%run_scoped3A_80 : memref<!tpu.dma_semaphore, #tpu.memory_space<semaphore_mem>>) src(%arg39 : memref<512xf32, #tpu.memory_space<vmem>>) dst(%dma_wait3A_88 : memref<512xf32, #tpu.memory_space<hbm>>)
      tpu.yield
    }) : () -> ()
    %run_scoped3A_68 = arith.constant 0 : i32
    "tpu.region"() ({
      %run_scoped3A_80 = tpu.sem_alloc : memref<!tpu.dma_semaphore, #tpu.memory_space<semaphore_mem>>
      %dma_start3A_81 = tpu.memref_slice %arg23[%run_scoped3A_68, %mul3A_2] : memref<1x16384xf32, #tpu.memory_space<hbm>> -> memref<1x512xf32, #tpu.memory_space<hbm>>
      %dma_start3A_82 = tpu.memref_squeeze %dma_start3A_81 : memref<1x512xf32, #tpu.memory_space<hbm>> -> memref<512xf32, #tpu.memory_space<hbm>>
      %dma_start3A_83 = tpu.memref_slice %arg23[%run_scoped3A_68, %mul3A_2] : memref<1x16384xf32, #tpu.memory_space<hbm>> -> memref<1x512xf32, #tpu.memory_space<hbm>>
      %dma_start3A_84 = tpu.memref_squeeze %dma_start3A_83 : memref<1x512xf32, #tpu.memory_space<hbm>> -> memref<512xf32, #tpu.memory_space<hbm>>
      tpu.enqueue_dma source(%arg40 : memref<512xf32, #tpu.memory_space<vmem>>) target(%dma_start3A_84 : memref<512xf32, #tpu.memory_space<hbm>>) target_semaphore(%run_scoped3A_80 : memref<!tpu.dma_semaphore, #tpu.memory_space<semaphore_mem>>)
      %dma_wait3A_85 = tpu.memref_slice %arg23[%run_scoped3A_68, %mul3A_2] : memref<1x16384xf32, #tpu.memory_space<hbm>> -> memref<1x512xf32, #tpu.memory_space<hbm>>
      %dma_wait3A_86 = tpu.memref_squeeze %dma_wait3A_85 : memref<1x512xf32, #tpu.memory_space<hbm>> -> memref<512xf32, #tpu.memory_space<hbm>>
      %dma_wait3A_87 = tpu.memref_slice %arg23[%run_scoped3A_68, %mul3A_2] : memref<1x16384xf32, #tpu.memory_space<hbm>> -> memref<1x512xf32, #tpu.memory_space<hbm>>
      %dma_wait3A_88 = tpu.memref_squeeze %dma_wait3A_87 : memref<1x512xf32, #tpu.memory_space<hbm>> -> memref<512xf32, #tpu.memory_space<hbm>>
      tpu.wait_dma2 semaphore(%run_scoped3A_80 : memref<!tpu.dma_semaphore, #tpu.memory_space<semaphore_mem>>) src(%arg40 : memref<512xf32, #tpu.memory_space<vmem>>) dst(%dma_wait3A_88 : memref<512xf32, #tpu.memory_space<hbm>>)
      tpu.yield
    }) : () -> ()
    %run_scoped3A_69 = arith.constant 0 : i32
    "tpu.region"() ({
      %run_scoped3A_80 = tpu.sem_alloc : memref<!tpu.dma_semaphore, #tpu.memory_space<semaphore_mem>>
      %dma_start3A_81 = tpu.memref_slice %arg24[%run_scoped3A_69, %mul3A_2] : memref<1x16384xf32, #tpu.memory_space<hbm>> -> memref<1x512xf32, #tpu.memory_space<hbm>>
      %dma_start3A_82 = tpu.memref_squeeze %dma_start3A_81 : memref<1x512xf32, #tpu.memory_space<hbm>> -> memref<512xf32, #tpu.memory_space<hbm>>
      %dma_start3A_83 = tpu.memref_slice %arg24[%run_scoped3A_69, %mul3A_2] : memref<1x16384xf32, #tpu.memory_space<hbm>> -> memref<1x512xf32, #tpu.memory_space<hbm>>
      %dma_start3A_84 = tpu.memref_squeeze %dma_start3A_83 : memref<1x512xf32, #tpu.memory_space<hbm>> -> memref<512xf32, #tpu.memory_space<hbm>>
      tpu.enqueue_dma source(%arg41 : memref<512xf32, #tpu.memory_space<vmem>>) target(%dma_start3A_84 : memref<512xf32, #tpu.memory_space<hbm>>) target_semaphore(%run_scoped3A_80 : memref<!tpu.dma_semaphore, #tpu.memory_space<semaphore_mem>>)
      %dma_wait3A_85 = tpu.memref_slice %arg24[%run_scoped3A_69, %mul3A_2] : memref<1x16384xf32, #tpu.memory_space<hbm>> -> memref<1x512xf32, #tpu.memory_space<hbm>>
      %dma_wait3A_86 = tpu.memref_squeeze %dma_wait3A_85 : memref<1x512xf32, #tpu.memory_space<hbm>> -> memref<512xf32, #tpu.memory_space<hbm>>
      %dma_wait3A_87 = tpu.memref_slice %arg24[%run_scoped3A_69, %mul3A_2] : memref<1x16384xf32, #tpu.memory_space<hbm>> -> memref<1x512xf32, #tpu.memory_space<hbm>>
      %dma_wait3A_88 = tpu.memref_squeeze %dma_wait3A_87 : memref<1x512xf32, #tpu.memory_space<hbm>> -> memref<512xf32, #tpu.memory_space<hbm>>
      tpu.wait_dma2 semaphore(%run_scoped3A_80 : memref<!tpu.dma_semaphore, #tpu.memory_space<semaphore_mem>>) src(%arg41 : memref<512xf32, #tpu.memory_space<vmem>>) dst(%dma_wait3A_88 : memref<512xf32, #tpu.memory_space<hbm>>)
      tpu.yield
    }) : () -> ()
    %run_scoped3A_70 = arith.constant 0 : i32
    "tpu.region"() ({
      %run_scoped3A_80 = tpu.sem_alloc : memref<!tpu.dma_semaphore, #tpu.memory_space<semaphore_mem>>
      %dma_start3A_81 = tpu.memref_slice %arg25[%run_scoped3A_70, %mul3A_2] : memref<1x16384xf32, #tpu.memory_space<hbm>> -> memref<1x512xf32, #tpu.memory_space<hbm>>
      %dma_start3A_82 = tpu.memref_squeeze %dma_start3A_81 : memref<1x512xf32, #tpu.memory_space<hbm>> -> memref<512xf32, #tpu.memory_space<hbm>>
      %dma_start3A_83 = tpu.memref_slice %arg25[%run_scoped3A_70, %mul3A_2] : memref<1x16384xf32, #tpu.memory_space<hbm>> -> memref<1x512xf32, #tpu.memory_space<hbm>>
      %dma_start3A_84 = tpu.memref_squeeze %dma_start3A_83 : memref<1x512xf32, #tpu.memory_space<hbm>> -> memref<512xf32, #tpu.memory_space<hbm>>
      tpu.enqueue_dma source(%arg42 : memref<512xf32, #tpu.memory_space<vmem>>) target(%dma_start3A_84 : memref<512xf32, #tpu.memory_space<hbm>>) target_semaphore(%run_scoped3A_80 : memref<!tpu.dma_semaphore, #tpu.memory_space<semaphore_mem>>)
      %dma_wait3A_85 = tpu.memref_slice %arg25[%run_scoped3A_70, %mul3A_2] : memref<1x16384xf32, #tpu.memory_space<hbm>> -> memref<1x512xf32, #tpu.memory_space<hbm>>
      %dma_wait3A_86 = tpu.memref_squeeze %dma_wait3A_85 : memref<1x512xf32, #tpu.memory_space<hbm>> -> memref<512xf32, #tpu.memory_space<hbm>>
      %dma_wait3A_87 = tpu.memref_slice %arg25[%run_scoped3A_70, %mul3A_2] : memref<1x16384xf32, #tpu.memory_space<hbm>> -> memref<1x512xf32, #tpu.memory_space<hbm>>
      %dma_wait3A_88 = tpu.memref_squeeze %dma_wait3A_87 : memref<1x512xf32, #tpu.memory_space<hbm>> -> memref<512xf32, #tpu.memory_space<hbm>>
      tpu.wait_dma2 semaphore(%run_scoped3A_80 : memref<!tpu.dma_semaphore, #tpu.memory_space<semaphore_mem>>) src(%arg42 : memref<512xf32, #tpu.memory_space<vmem>>) dst(%dma_wait3A_88 : memref<512xf32, #tpu.memory_space<hbm>>)
      tpu.yield
    }) : () -> ()
    %run_scoped3A_71 = arith.constant 0 : i32
    "tpu.region"() ({
      %run_scoped3A_80 = tpu.sem_alloc : memref<!tpu.dma_semaphore, #tpu.memory_space<semaphore_mem>>
      %dma_start3A_81 = tpu.memref_slice %arg26[%run_scoped3A_71, %mul3A_2] : memref<1x16384xf32, #tpu.memory_space<hbm>> -> memref<1x512xf32, #tpu.memory_space<hbm>>
      %dma_start3A_82 = tpu.memref_squeeze %dma_start3A_81 : memref<1x512xf32, #tpu.memory_space<hbm>> -> memref<512xf32, #tpu.memory_space<hbm>>
      %dma_start3A_83 = tpu.memref_slice %arg26[%run_scoped3A_71, %mul3A_2] : memref<1x16384xf32, #tpu.memory_space<hbm>> -> memref<1x512xf32, #tpu.memory_space<hbm>>
      %dma_start3A_84 = tpu.memref_squeeze %dma_start3A_83 : memref<1x512xf32, #tpu.memory_space<hbm>> -> memref<512xf32, #tpu.memory_space<hbm>>
      tpu.enqueue_dma source(%arg43 : memref<512xf32, #tpu.memory_space<vmem>>) target(%dma_start3A_84 : memref<512xf32, #tpu.memory_space<hbm>>) target_semaphore(%run_scoped3A_80 : memref<!tpu.dma_semaphore, #tpu.memory_space<semaphore_mem>>)
      %dma_wait3A_85 = tpu.memref_slice %arg26[%run_scoped3A_71, %mul3A_2] : memref<1x16384xf32, #tpu.memory_space<hbm>> -> memref<1x512xf32, #tpu.memory_space<hbm>>
      %dma_wait3A_86 = tpu.memref_squeeze %dma_wait3A_85 : memref<1x512xf32, #tpu.memory_space<hbm>> -> memref<512xf32, #tpu.memory_space<hbm>>
      %dma_wait3A_87 = tpu.memref_slice %arg26[%run_scoped3A_71, %mul3A_2] : memref<1x16384xf32, #tpu.memory_space<hbm>> -> memref<1x512xf32, #tpu.memory_space<hbm>>
      %dma_wait3A_88 = tpu.memref_squeeze %dma_wait3A_87 : memref<1x512xf32, #tpu.memory_space<hbm>> -> memref<512xf32, #tpu.memory_space<hbm>>
      tpu.wait_dma2 semaphore(%run_scoped3A_80 : memref<!tpu.dma_semaphore, #tpu.memory_space<semaphore_mem>>) src(%arg43 : memref<512xf32, #tpu.memory_space<vmem>>) dst(%dma_wait3A_88 : memref<512xf32, #tpu.memory_space<hbm>>)
      tpu.yield
    }) : () -> ()
    %run_scoped3A_72 = arith.constant 0 : i32
    "tpu.region"() ({
      %run_scoped3A_80 = tpu.sem_alloc : memref<!tpu.dma_semaphore, #tpu.memory_space<semaphore_mem>>
      %dma_start3A_81 = tpu.memref_slice %arg27[%run_scoped3A_72, %mul3A_2] : memref<1x16384xf32, #tpu.memory_space<hbm>> -> memref<1x512xf32, #tpu.memory_space<hbm>>
      %dma_start3A_82 = tpu.memref_squeeze %dma_start3A_81 : memref<1x512xf32, #tpu.memory_space<hbm>> -> memref<512xf32, #tpu.memory_space<hbm>>
      %dma_start3A_83 = tpu.memref_slice %arg27[%run_scoped3A_72, %mul3A_2] : memref<1x16384xf32, #tpu.memory_space<hbm>> -> memref<1x512xf32, #tpu.memory_space<hbm>>
      %dma_start3A_84 = tpu.memref_squeeze %dma_start3A_83 : memref<1x512xf32, #tpu.memory_space<hbm>> -> memref<512xf32, #tpu.memory_space<hbm>>
      tpu.enqueue_dma source(%arg44 : memref<512xf32, #tpu.memory_space<vmem>>) target(%dma_start3A_84 : memref<512xf32, #tpu.memory_space<hbm>>) target_semaphore(%run_scoped3A_80 : memref<!tpu.dma_semaphore, #tpu.memory_space<semaphore_mem>>)
      %dma_wait3A_85 = tpu.memref_slice %arg27[%run_scoped3A_72, %mul3A_2] : memref<1x16384xf32, #tpu.memory_space<hbm>> -> memref<1x512xf32, #tpu.memory_space<hbm>>
      %dma_wait3A_86 = tpu.memref_squeeze %dma_wait3A_85 : memref<1x512xf32, #tpu.memory_space<hbm>> -> memref<512xf32, #tpu.memory_space<hbm>>
      %dma_wait3A_87 = tpu.memref_slice %arg27[%run_scoped3A_72, %mul3A_2] : memref<1x16384xf32, #tpu.memory_space<hbm>> -> memref<1x512xf32, #tpu.memory_space<hbm>>
      %dma_wait3A_88 = tpu.memref_squeeze %dma_wait3A_87 : memref<1x512xf32, #tpu.memory_space<hbm>> -> memref<512xf32, #tpu.memory_space<hbm>>
      tpu.wait_dma2 semaphore(%run_scoped3A_80 : memref<!tpu.dma_semaphore, #tpu.memory_space<semaphore_mem>>) src(%arg44 : memref<512xf32, #tpu.memory_space<vmem>>) dst(%dma_wait3A_88 : memref<512xf32, #tpu.memory_space<hbm>>)
      tpu.yield
    }) : () -> ()
    %run_scoped3A_73 = arith.constant 0 : i32
    "tpu.region"() ({
      %run_scoped3A_80 = tpu.sem_alloc : memref<!tpu.dma_semaphore, #tpu.memory_space<semaphore_mem>>
      %dma_start3A_81 = tpu.memref_slice %arg28[%run_scoped3A_73, %mul3A_2] : memref<1x16384xf32, #tpu.memory_space<hbm>> -> memref<1x512xf32, #tpu.memory_space<hbm>>
      %dma_start3A_82 = tpu.memref_squeeze %dma_start3A_81 : memref<1x512xf32, #tpu.memory_space<hbm>> -> memref<512xf32, #tpu.memory_space<hbm>>
      %dma_start3A_83 = tpu.memref_slice %arg28[%run_scoped3A_73, %mul3A_2] : memref<1x16384xf32, #tpu.memory_space<hbm>> -> memref<1x512xf32, #tpu.memory_space<hbm>>
      %dma_start3A_84 = tpu.memref_squeeze %dma_start3A_83 : memref<1x512xf32, #tpu.memory_space<hbm>> -> memref<512xf32, #tpu.memory_space<hbm>>
      tpu.enqueue_dma source(%arg45 : memref<512xf32, #tpu.memory_space<vmem>>) target(%dma_start3A_84 : memref<512xf32, #tpu.memory_space<hbm>>) target_semaphore(%run_scoped3A_80 : memref<!tpu.dma_semaphore, #tpu.memory_space<semaphore_mem>>)
      %dma_wait3A_85 = tpu.memref_slice %arg28[%run_scoped3A_73, %mul3A_2] : memref<1x16384xf32, #tpu.memory_space<hbm>> -> memref<1x512xf32, #tpu.memory_space<hbm>>
      %dma_wait3A_86 = tpu.memref_squeeze %dma_wait3A_85 : memref<1x512xf32, #tpu.memory_space<hbm>> -> memref<512xf32, #tpu.memory_space<hbm>>
      %dma_wait3A_87 = tpu.memref_slice %arg28[%run_scoped3A_73, %mul3A_2] : memref<1x16384xf32, #tpu.memory_space<hbm>> -> memref<1x512xf32, #tpu.memory_space<hbm>>
      %dma_wait3A_88 = tpu.memref_squeeze %dma_wait3A_87 : memref<1x512xf32, #tpu.memory_space<hbm>> -> memref<512xf32, #tpu.memory_space<hbm>>
      tpu.wait_dma2 semaphore(%run_scoped3A_80 : memref<!tpu.dma_semaphore, #tpu.memory_space<semaphore_mem>>) src(%arg45 : memref<512xf32, #tpu.memory_space<vmem>>) dst(%dma_wait3A_88 : memref<512xf32, #tpu.memory_space<hbm>>)
      tpu.yield
    }) : () -> ()
    %run_scoped3A_74 = arith.constant 0 : i32
    "tpu.region"() ({
      %run_scoped3A_80 = tpu.sem_alloc : memref<!tpu.dma_semaphore, #tpu.memory_space<semaphore_mem>>
      %dma_start3A_81 = tpu.memref_slice %arg29[%run_scoped3A_74, %mul3A_2] : memref<1x16384xf32, #tpu.memory_space<hbm>> -> memref<1x512xf32, #tpu.memory_space<hbm>>
      %dma_start3A_82 = tpu.memref_squeeze %dma_start3A_81 : memref<1x512xf32, #tpu.memory_space<hbm>> -> memref<512xf32, #tpu.memory_space<hbm>>
      %dma_start3A_83 = tpu.memref_slice %arg29[%run_scoped3A_74, %mul3A_2] : memref<1x16384xf32, #tpu.memory_space<hbm>> -> memref<1x512xf32, #tpu.memory_space<hbm>>
      %dma_start3A_84 = tpu.memref_squeeze %dma_start3A_83 : memref<1x512xf32, #tpu.memory_space<hbm>> -> memref<512xf32, #tpu.memory_space<hbm>>
      tpu.enqueue_dma source(%arg46 : memref<512xf32, #tpu.memory_space<vmem>>) target(%dma_start3A_84 : memref<512xf32, #tpu.memory_space<hbm>>) target_semaphore(%run_scoped3A_80 : memref<!tpu.dma_semaphore, #tpu.memory_space<semaphore_mem>>)
      %dma_wait3A_85 = tpu.memref_slice %arg29[%run_scoped3A_74, %mul3A_2] : memref<1x16384xf32, #tpu.memory_space<hbm>> -> memref<1x512xf32, #tpu.memory_space<hbm>>
      %dma_wait3A_86 = tpu.memref_squeeze %dma_wait3A_85 : memref<1x512xf32, #tpu.memory_space<hbm>> -> memref<512xf32, #tpu.memory_space<hbm>>
      %dma_wait3A_87 = tpu.memref_slice %arg29[%run_scoped3A_74, %mul3A_2] : memref<1x16384xf32, #tpu.memory_space<hbm>> -> memref<1x512xf32, #tpu.memory_space<hbm>>
      %dma_wait3A_88 = tpu.memref_squeeze %dma_wait3A_87 : memref<1x512xf32, #tpu.memory_space<hbm>> -> memref<512xf32, #tpu.memory_space<hbm>>
      tpu.wait_dma2 semaphore(%run_scoped3A_80 : memref<!tpu.dma_semaphore, #tpu.memory_space<semaphore_mem>>) src(%arg46 : memref<512xf32, #tpu.memory_space<vmem>>) dst(%dma_wait3A_88 : memref<512xf32, #tpu.memory_space<hbm>>)
      tpu.yield
    }) : () -> ()
    %run_scoped3A_75 = arith.constant 0 : i32
    "tpu.region"() ({
      %run_scoped3A_80 = tpu.sem_alloc : memref<!tpu.dma_semaphore, #tpu.memory_space<semaphore_mem>>
      %dma_start3A_81 = tpu.memref_slice %arg30[%run_scoped3A_75, %mul3A_2] : memref<1x16384xf32, #tpu.memory_space<hbm>> -> memref<1x512xf32, #tpu.memory_space<hbm>>
      %dma_start3A_82 = tpu.memref_squeeze %dma_start3A_81 : memref<1x512xf32, #tpu.memory_space<hbm>> -> memref<512xf32, #tpu.memory_space<hbm>>
      %dma_start3A_83 = tpu.memref_slice %arg30[%run_scoped3A_75, %mul3A_2] : memref<1x16384xf32, #tpu.memory_space<hbm>> -> memref<1x512xf32, #tpu.memory_space<hbm>>
      %dma_start3A_84 = tpu.memref_squeeze %dma_start3A_83 : memref<1x512xf32, #tpu.memory_space<hbm>> -> memref<512xf32, #tpu.memory_space<hbm>>
      tpu.enqueue_dma source(%arg47 : memref<512xf32, #tpu.memory_space<vmem>>) target(%dma_start3A_84 : memref<512xf32, #tpu.memory_space<hbm>>) target_semaphore(%run_scoped3A_80 : memref<!tpu.dma_semaphore, #tpu.memory_space<semaphore_mem>>)
      %dma_wait3A_85 = tpu.memref_slice %arg30[%run_scoped3A_75, %mul3A_2] : memref<1x16384xf32, #tpu.memory_space<hbm>> -> memref<1x512xf32, #tpu.memory_space<hbm>>
      %dma_wait3A_86 = tpu.memref_squeeze %dma_wait3A_85 : memref<1x512xf32, #tpu.memory_space<hbm>> -> memref<512xf32, #tpu.memory_space<hbm>>
      %dma_wait3A_87 = tpu.memref_slice %arg30[%run_scoped3A_75, %mul3A_2] : memref<1x16384xf32, #tpu.memory_space<hbm>> -> memref<1x512xf32, #tpu.memory_space<hbm>>
      %dma_wait3A_88 = tpu.memref_squeeze %dma_wait3A_87 : memref<1x512xf32, #tpu.memory_space<hbm>> -> memref<512xf32, #tpu.memory_space<hbm>>
      tpu.wait_dma2 semaphore(%run_scoped3A_80 : memref<!tpu.dma_semaphore, #tpu.memory_space<semaphore_mem>>) src(%arg47 : memref<512xf32, #tpu.memory_space<vmem>>) dst(%dma_wait3A_88 : memref<512xf32, #tpu.memory_space<hbm>>)
      tpu.yield
    }) : () -> ()
    %run_scoped3A_76 = arith.constant 0 : i32
    "tpu.region"() ({
      %run_scoped3A_80 = tpu.sem_alloc : memref<!tpu.dma_semaphore, #tpu.memory_space<semaphore_mem>>
      %dma_start3A_81 = tpu.memref_slice %arg31[%run_scoped3A_76, %mul3A_2] : memref<1x16384xf32, #tpu.memory_space<hbm>> -> memref<1x512xf32, #tpu.memory_space<hbm>>
      %dma_start3A_82 = tpu.memref_squeeze %dma_start3A_81 : memref<1x512xf32, #tpu.memory_space<hbm>> -> memref<512xf32, #tpu.memory_space<hbm>>
      %dma_start3A_83 = tpu.memref_slice %arg31[%run_scoped3A_76, %mul3A_2] : memref<1x16384xf32, #tpu.memory_space<hbm>> -> memref<1x512xf32, #tpu.memory_space<hbm>>
      %dma_start3A_84 = tpu.memref_squeeze %dma_start3A_83 : memref<1x512xf32, #tpu.memory_space<hbm>> -> memref<512xf32, #tpu.memory_space<hbm>>
      tpu.enqueue_dma source(%arg48 : memref<512xf32, #tpu.memory_space<vmem>>) target(%dma_start3A_84 : memref<512xf32, #tpu.memory_space<hbm>>) target_semaphore(%run_scoped3A_80 : memref<!tpu.dma_semaphore, #tpu.memory_space<semaphore_mem>>)
      %dma_wait3A_85 = tpu.memref_slice %arg31[%run_scoped3A_76, %mul3A_2] : memref<1x16384xf32, #tpu.memory_space<hbm>> -> memref<1x512xf32, #tpu.memory_space<hbm>>
      %dma_wait3A_86 = tpu.memref_squeeze %dma_wait3A_85 : memref<1x512xf32, #tpu.memory_space<hbm>> -> memref<512xf32, #tpu.memory_space<hbm>>
      %dma_wait3A_87 = tpu.memref_slice %arg31[%run_scoped3A_76, %mul3A_2] : memref<1x16384xf32, #tpu.memory_space<hbm>> -> memref<1x512xf32, #tpu.memory_space<hbm>>
      %dma_wait3A_88 = tpu.memref_squeeze %dma_wait3A_87 : memref<1x512xf32, #tpu.memory_space<hbm>> -> memref<512xf32, #tpu.memory_space<hbm>>
      tpu.wait_dma2 semaphore(%run_scoped3A_80 : memref<!tpu.dma_semaphore, #tpu.memory_space<semaphore_mem>>) src(%arg48 : memref<512xf32, #tpu.memory_space<vmem>>) dst(%dma_wait3A_88 : memref<512xf32, #tpu.memory_space<hbm>>)
      tpu.yield
    }) : () -> ()
    %run_scoped3A_77 = arith.constant 0 : i32
    "tpu.region"() ({
      %run_scoped3A_80 = tpu.sem_alloc : memref<!tpu.dma_semaphore, #tpu.memory_space<semaphore_mem>>
      %dma_start3A_81 = tpu.memref_slice %arg32[%run_scoped3A_77, %mul3A_2] : memref<1x16384xf32, #tpu.memory_space<hbm>> -> memref<1x512xf32, #tpu.memory_space<hbm>>
      %dma_start3A_82 = tpu.memref_squeeze %dma_start3A_81 : memref<1x512xf32, #tpu.memory_space<hbm>> -> memref<512xf32, #tpu.memory_space<hbm>>
      %dma_start3A_83 = tpu.memref_slice %arg32[%run_scoped3A_77, %mul3A_2] : memref<1x16384xf32, #tpu.memory_space<hbm>> -> memref<1x512xf32, #tpu.memory_space<hbm>>
      %dma_start3A_84 = tpu.memref_squeeze %dma_start3A_83 : memref<1x512xf32, #tpu.memory_space<hbm>> -> memref<512xf32, #tpu.memory_space<hbm>>
      tpu.enqueue_dma source(%arg49 : memref<512xf32, #tpu.memory_space<vmem>>) target(%dma_start3A_84 : memref<512xf32, #tpu.memory_space<hbm>>) target_semaphore(%run_scoped3A_80 : memref<!tpu.dma_semaphore, #tpu.memory_space<semaphore_mem>>)
      %dma_wait3A_85 = tpu.memref_slice %arg32[%run_scoped3A_77, %mul3A_2] : memref<1x16384xf32, #tpu.memory_space<hbm>> -> memref<1x512xf32, #tpu.memory_space<hbm>>
      %dma_wait3A_86 = tpu.memref_squeeze %dma_wait3A_85 : memref<1x512xf32, #tpu.memory_space<hbm>> -> memref<512xf32, #tpu.memory_space<hbm>>
      %dma_wait3A_87 = tpu.memref_slice %arg32[%run_scoped3A_77, %mul3A_2] : memref<1x16384xf32, #tpu.memory_space<hbm>> -> memref<1x512xf32, #tpu.memory_space<hbm>>
      %dma_wait3A_88 = tpu.memref_squeeze %dma_wait3A_87 : memref<1x512xf32, #tpu.memory_space<hbm>> -> memref<512xf32, #tpu.memory_space<hbm>>
      tpu.wait_dma2 semaphore(%run_scoped3A_80 : memref<!tpu.dma_semaphore, #tpu.memory_space<semaphore_mem>>) src(%arg49 : memref<512xf32, #tpu.memory_space<vmem>>) dst(%dma_wait3A_88 : memref<512xf32, #tpu.memory_space<hbm>>)
      tpu.yield
    }) : () -> ()
    %run_scoped3A_78 = arith.constant 0 : i32
    "tpu.region"() ({
      %run_scoped3A_80 = tpu.sem_alloc : memref<!tpu.dma_semaphore, #tpu.memory_space<semaphore_mem>>
      %dma_start3A_81 = tpu.memref_slice %arg33[%run_scoped3A_78, %mul3A_2] : memref<1x16384xf32, #tpu.memory_space<hbm>> -> memref<1x512xf32, #tpu.memory_space<hbm>>
      %dma_start3A_82 = tpu.memref_squeeze %dma_start3A_81 : memref<1x512xf32, #tpu.memory_space<hbm>> -> memref<512xf32, #tpu.memory_space<hbm>>
      %dma_start3A_83 = tpu.memref_slice %arg33[%run_scoped3A_78, %mul3A_2] : memref<1x16384xf32, #tpu.memory_space<hbm>> -> memref<1x512xf32, #tpu.memory_space<hbm>>
      %dma_start3A_84 = tpu.memref_squeeze %dma_start3A_83 : memref<1x512xf32, #tpu.memory_space<hbm>> -> memref<512xf32, #tpu.memory_space<hbm>>
      tpu.enqueue_dma source(%arg50 : memref<512xf32, #tpu.memory_space<vmem>>) target(%dma_start3A_84 : memref<512xf32, #tpu.memory_space<hbm>>) target_semaphore(%run_scoped3A_80 : memref<!tpu.dma_semaphore, #tpu.memory_space<semaphore_mem>>)
      %dma_wait3A_85 = tpu.memref_slice %arg33[%run_scoped3A_78, %mul3A_2] : memref<1x16384xf32, #tpu.memory_space<hbm>> -> memref<1x512xf32, #tpu.memory_space<hbm>>
      %dma_wait3A_86 = tpu.memref_squeeze %dma_wait3A_85 : memref<1x512xf32, #tpu.memory_space<hbm>> -> memref<512xf32, #tpu.memory_space<hbm>>
      %dma_wait3A_87 = tpu.memref_slice %arg33[%run_scoped3A_78, %mul3A_2] : memref<1x16384xf32, #tpu.memory_space<hbm>> -> memref<1x512xf32, #tpu.memory_space<hbm>>
      %dma_wait3A_88 = tpu.memref_squeeze %dma_wait3A_87 : memref<1x512xf32, #tpu.memory_space<hbm>> -> memref<512xf32, #tpu.memory_space<hbm>>
      tpu.wait_dma2 semaphore(%run_scoped3A_80 : memref<!tpu.dma_semaphore, #tpu.memory_space<semaphore_mem>>) src(%arg50 : memref<512xf32, #tpu.memory_space<vmem>>) dst(%dma_wait3A_88 : memref<512xf32, #tpu.memory_space<hbm>>)
      tpu.yield
    }) : () -> ()
    %run_scoped3A_79 = arith.constant 0 : i32
    "tpu.region"() ({
      %run_scoped3A_80 = tpu.sem_alloc : memref<!tpu.dma_semaphore, #tpu.memory_space<semaphore_mem>>
      %dma_start3A_81 = tpu.memref_slice %arg34[%run_scoped3A_79, %mul3A_2] : memref<1x16384xf32, #tpu.memory_space<hbm>> -> memref<1x512xf32, #tpu.memory_space<hbm>>
      %dma_start3A_82 = tpu.memref_squeeze %dma_start3A_81 : memref<1x512xf32, #tpu.memory_space<hbm>> -> memref<512xf32, #tpu.memory_space<hbm>>
      %dma_start3A_83 = tpu.memref_slice %arg34[%run_scoped3A_79, %mul3A_2] : memref<1x16384xf32, #tpu.memory_space<hbm>> -> memref<1x512xf32, #tpu.memory_space<hbm>>
      %dma_start3A_84 = tpu.memref_squeeze %dma_start3A_83 : memref<1x512xf32, #tpu.memory_space<hbm>> -> memref<512xf32, #tpu.memory_space<hbm>>
      tpu.enqueue_dma source(%arg51 : memref<512xf32, #tpu.memory_space<vmem>>) target(%dma_start3A_84 : memref<512xf32, #tpu.memory_space<hbm>>) target_semaphore(%run_scoped3A_80 : memref<!tpu.dma_semaphore, #tpu.memory_space<semaphore_mem>>)
      %dma_wait3A_85 = tpu.memref_slice %arg34[%run_scoped3A_79, %mul3A_2] : memref<1x16384xf32, #tpu.memory_space<hbm>> -> memref<1x512xf32, #tpu.memory_space<hbm>>
      %dma_wait3A_86 = tpu.memref_squeeze %dma_wait3A_85 : memref<1x512xf32, #tpu.memory_space<hbm>> -> memref<512xf32, #tpu.memory_space<hbm>>
      %dma_wait3A_87 = tpu.memref_slice %arg34[%run_scoped3A_79, %mul3A_2] : memref<1x16384xf32, #tpu.memory_space<hbm>> -> memref<1x512xf32, #tpu.memory_space<hbm>>
      %dma_wait3A_88 = tpu.memref_squeeze %dma_wait3A_87 : memref<1x512xf32, #tpu.memory_space<hbm>> -> memref<512xf32, #tpu.memory_space<hbm>>
      tpu.wait_dma2 semaphore(%run_scoped3A_80 : memref<!tpu.dma_semaphore, #tpu.memory_space<semaphore_mem>>) src(%arg51 : memref<512xf32, #tpu.memory_space<vmem>>) dst(%dma_wait3A_88 : memref<512xf32, #tpu.memory_space<hbm>>)
      tpu.yield
    }) : () -> ()
    return
  }
}

module attributes {stable_mosaic.version = 14 : i64} {
  func.func @_em_body(%arg0: i32, %arg1: memref<16x65536xf32, #tpu.memory_space<vmem>>, %arg2: memref<16x65536xf32, #tpu.memory_space<vmem>>, %arg3: memref<65536xf32, #tpu.memory_space<vmem>>, %arg4: memref<65536xf32, #tpu.memory_space<vmem>>, %arg5: memref<65536xf32, #tpu.memory_space<vmem>>, %arg6: memref<65536xf32, #tpu.memory_space<vmem>>, %arg7: memref<65536xf32, #tpu.memory_space<vmem>>, %arg8: memref<65536xf32, #tpu.memory_space<vmem>>, %arg9: memref<65536xf32, #tpu.memory_space<vmem>>, %arg10: memref<65536xf32, #tpu.memory_space<vmem>>, %arg11: memref<65536xf32, #tpu.memory_space<vmem>>, %arg12: memref<65536xf32, #tpu.memory_space<vmem>>, %arg13: memref<65536xf32, #tpu.memory_space<vmem>>, %arg14: memref<65536xf32, #tpu.memory_space<vmem>>, %arg15: memref<65536xf32, #tpu.memory_space<vmem>>, %arg16: memref<65536xf32, #tpu.memory_space<vmem>>, %arg17: memref<65536xf32, #tpu.memory_space<vmem>>, %arg18: memref<65536xf32, #tpu.memory_space<vmem>>) attributes {dimension_semantics = [#tpu.dimension_semantics<arbitrary>], iteration_bounds = array<i64: 16>, scalar_prefetch = 0 : i64, scratch_operands = 0 : i64, tpu.core_type = #tpu.core_type<tc>, window_params = [{transform_indices = @transform_0, window_bounds = array<i64: 16, 65536>}, {transform_indices = @transform_1, window_bounds = array<i64: 16, 65536>}, {transform_indices = @transform_2, window_bounds = array<i64: 65536>}, {transform_indices = @transform_3, window_bounds = array<i64: 65536>}, {transform_indices = @transform_4, window_bounds = array<i64: 65536>}, {transform_indices = @transform_5, window_bounds = array<i64: 65536>}, {transform_indices = @transform_6, window_bounds = array<i64: 65536>}, {transform_indices = @transform_7, window_bounds = array<i64: 65536>}, {transform_indices = @transform_8, window_bounds = array<i64: 65536>}, {transform_indices = @transform_9, window_bounds = array<i64: 65536>}, {transform_indices = @transform_10, window_bounds = array<i64: 65536>}, {transform_indices = @transform_11, window_bounds = array<i64: 65536>}, {transform_indices = @transform_12, window_bounds = array<i64: 65536>}, {transform_indices = @transform_13, window_bounds = array<i64: 65536>}, {transform_indices = @transform_14, window_bounds = array<i64: 65536>}, {transform_indices = @transform_15, window_bounds = array<i64: 65536>}, {transform_indices = @transform_16, window_bounds = array<i64: 65536>}, {transform_indices = @transform_17, window_bounds = array<i64: 65536>}]} {
    %get3A = arith.constant 0 : index
    %get3A_0 = arith.constant 0 : index
    %get3A_1 = vector.load %arg1[%get3A, %get3A_0] : memref<16x65536xf32, #tpu.memory_space<vmem>>, vector<16x65536xf32>
    %swap3A = arith.constant 0 : index
    %swap3A_2 = arith.constant 0 : index
    %swap3A_3 = vector.load %arg2[%swap3A, %swap3A_2] : memref<16x65536xf32, #tpu.memory_space<vmem>>, vector<16x65536xf32>
    tpu.vector_store %arg2[%swap3A, %swap3A_2], %get3A_1 {strides = array<i32>} : memref<16x65536xf32, #tpu.memory_space<vmem>>, vector<16x65536xf32>,
    %slice3A = vector.extract_strided_slice %get3A_1 {offsets = [0, 0], sizes = [1, 65536], strides = [1, 1]} : vector<16x65536xf32> to vector<1x65536xf32>
    %reshape3A = vector.shape_cast %slice3A : vector<1x65536xf32> to vector<65536xf32>
    %swap3A_4 = arith.constant 0 : index
    %swap3A_5 = vector.load %arg3[%swap3A_4] : memref<65536xf32, #tpu.memory_space<vmem>>, vector<65536xf32>
    tpu.vector_store %arg3[%swap3A_4], %reshape3A {strides = array<i32>} : memref<65536xf32, #tpu.memory_space<vmem>>, vector<65536xf32>,
    %slice3A_6 = vector.extract_strided_slice %get3A_1 {offsets = [1, 0], sizes = [1, 65536], strides = [1, 1]} : vector<16x65536xf32> to vector<1x65536xf32>
    %reshape3A_7 = vector.shape_cast %slice3A_6 : vector<1x65536xf32> to vector<65536xf32>
    %swap3A_8 = arith.constant 0 : index
    %swap3A_9 = vector.load %arg4[%swap3A_8] : memref<65536xf32, #tpu.memory_space<vmem>>, vector<65536xf32>
    tpu.vector_store %arg4[%swap3A_8], %reshape3A_7 {strides = array<i32>} : memref<65536xf32, #tpu.memory_space<vmem>>, vector<65536xf32>,
    %slice3A_10 = vector.extract_strided_slice %get3A_1 {offsets = [2, 0], sizes = [1, 65536], strides = [1, 1]} : vector<16x65536xf32> to vector<1x65536xf32>
    %reshape3A_11 = vector.shape_cast %slice3A_10 : vector<1x65536xf32> to vector<65536xf32>
    %swap3A_12 = arith.constant 0 : index
    %swap3A_13 = vector.load %arg5[%swap3A_12] : memref<65536xf32, #tpu.memory_space<vmem>>, vector<65536xf32>
    tpu.vector_store %arg5[%swap3A_12], %reshape3A_11 {strides = array<i32>} : memref<65536xf32, #tpu.memory_space<vmem>>, vector<65536xf32>,
    %slice3A_14 = vector.extract_strided_slice %get3A_1 {offsets = [3, 0], sizes = [1, 65536], strides = [1, 1]} : vector<16x65536xf32> to vector<1x65536xf32>
    %reshape3A_15 = vector.shape_cast %slice3A_14 : vector<1x65536xf32> to vector<65536xf32>
    %swap3A_16 = arith.constant 0 : index
    %swap3A_17 = vector.load %arg6[%swap3A_16] : memref<65536xf32, #tpu.memory_space<vmem>>, vector<65536xf32>
    tpu.vector_store %arg6[%swap3A_16], %reshape3A_15 {strides = array<i32>} : memref<65536xf32, #tpu.memory_space<vmem>>, vector<65536xf32>,
    %slice3A_18 = vector.extract_strided_slice %get3A_1 {offsets = [4, 0], sizes = [1, 65536], strides = [1, 1]} : vector<16x65536xf32> to vector<1x65536xf32>
    %reshape3A_19 = vector.shape_cast %slice3A_18 : vector<1x65536xf32> to vector<65536xf32>
    %swap3A_20 = arith.constant 0 : index
    %swap3A_21 = vector.load %arg7[%swap3A_20] : memref<65536xf32, #tpu.memory_space<vmem>>, vector<65536xf32>
    tpu.vector_store %arg7[%swap3A_20], %reshape3A_19 {strides = array<i32>} : memref<65536xf32, #tpu.memory_space<vmem>>, vector<65536xf32>,
    %slice3A_22 = vector.extract_strided_slice %get3A_1 {offsets = [5, 0], sizes = [1, 65536], strides = [1, 1]} : vector<16x65536xf32> to vector<1x65536xf32>
    %reshape3A_23 = vector.shape_cast %slice3A_22 : vector<1x65536xf32> to vector<65536xf32>
    %swap3A_24 = arith.constant 0 : index
    %swap3A_25 = vector.load %arg8[%swap3A_24] : memref<65536xf32, #tpu.memory_space<vmem>>, vector<65536xf32>
    tpu.vector_store %arg8[%swap3A_24], %reshape3A_23 {strides = array<i32>} : memref<65536xf32, #tpu.memory_space<vmem>>, vector<65536xf32>,
    %slice3A_26 = vector.extract_strided_slice %get3A_1 {offsets = [6, 0], sizes = [1, 65536], strides = [1, 1]} : vector<16x65536xf32> to vector<1x65536xf32>
    %reshape3A_27 = vector.shape_cast %slice3A_26 : vector<1x65536xf32> to vector<65536xf32>
    %swap3A_28 = arith.constant 0 : index
    %swap3A_29 = vector.load %arg9[%swap3A_28] : memref<65536xf32, #tpu.memory_space<vmem>>, vector<65536xf32>
    tpu.vector_store %arg9[%swap3A_28], %reshape3A_27 {strides = array<i32>} : memref<65536xf32, #tpu.memory_space<vmem>>, vector<65536xf32>,
    %slice3A_30 = vector.extract_strided_slice %get3A_1 {offsets = [7, 0], sizes = [1, 65536], strides = [1, 1]} : vector<16x65536xf32> to vector<1x65536xf32>
    %reshape3A_31 = vector.shape_cast %slice3A_30 : vector<1x65536xf32> to vector<65536xf32>
    %swap3A_32 = arith.constant 0 : index
    %swap3A_33 = vector.load %arg10[%swap3A_32] : memref<65536xf32, #tpu.memory_space<vmem>>, vector<65536xf32>
    tpu.vector_store %arg10[%swap3A_32], %reshape3A_31 {strides = array<i32>} : memref<65536xf32, #tpu.memory_space<vmem>>, vector<65536xf32>,
    %slice3A_34 = vector.extract_strided_slice %get3A_1 {offsets = [8, 0], sizes = [1, 65536], strides = [1, 1]} : vector<16x65536xf32> to vector<1x65536xf32>
    %reshape3A_35 = vector.shape_cast %slice3A_34 : vector<1x65536xf32> to vector<65536xf32>
    %swap3A_36 = arith.constant 0 : index
    %swap3A_37 = vector.load %arg11[%swap3A_36] : memref<65536xf32, #tpu.memory_space<vmem>>, vector<65536xf32>
    tpu.vector_store %arg11[%swap3A_36], %reshape3A_35 {strides = array<i32>} : memref<65536xf32, #tpu.memory_space<vmem>>, vector<65536xf32>,
    %slice3A_38 = vector.extract_strided_slice %get3A_1 {offsets = [9, 0], sizes = [1, 65536], strides = [1, 1]} : vector<16x65536xf32> to vector<1x65536xf32>
    %reshape3A_39 = vector.shape_cast %slice3A_38 : vector<1x65536xf32> to vector<65536xf32>
    %swap3A_40 = arith.constant 0 : index
    %swap3A_41 = vector.load %arg12[%swap3A_40] : memref<65536xf32, #tpu.memory_space<vmem>>, vector<65536xf32>
    tpu.vector_store %arg12[%swap3A_40], %reshape3A_39 {strides = array<i32>} : memref<65536xf32, #tpu.memory_space<vmem>>, vector<65536xf32>,
    %slice3A_42 = vector.extract_strided_slice %get3A_1 {offsets = [10, 0], sizes = [1, 65536], strides = [1, 1]} : vector<16x65536xf32> to vector<1x65536xf32>
    %reshape3A_43 = vector.shape_cast %slice3A_42 : vector<1x65536xf32> to vector<65536xf32>
    %swap3A_44 = arith.constant 0 : index
    %swap3A_45 = vector.load %arg13[%swap3A_44] : memref<65536xf32, #tpu.memory_space<vmem>>, vector<65536xf32>
    tpu.vector_store %arg13[%swap3A_44], %reshape3A_43 {strides = array<i32>} : memref<65536xf32, #tpu.memory_space<vmem>>, vector<65536xf32>,
    %slice3A_46 = vector.extract_strided_slice %get3A_1 {offsets = [11, 0], sizes = [1, 65536], strides = [1, 1]} : vector<16x65536xf32> to vector<1x65536xf32>
    %reshape3A_47 = vector.shape_cast %slice3A_46 : vector<1x65536xf32> to vector<65536xf32>
    %swap3A_48 = arith.constant 0 : index
    %swap3A_49 = vector.load %arg14[%swap3A_48] : memref<65536xf32, #tpu.memory_space<vmem>>, vector<65536xf32>
    tpu.vector_store %arg14[%swap3A_48], %reshape3A_47 {strides = array<i32>} : memref<65536xf32, #tpu.memory_space<vmem>>, vector<65536xf32>,
    %slice3A_50 = vector.extract_strided_slice %get3A_1 {offsets = [12, 0], sizes = [1, 65536], strides = [1, 1]} : vector<16x65536xf32> to vector<1x65536xf32>
    %reshape3A_51 = vector.shape_cast %slice3A_50 : vector<1x65536xf32> to vector<65536xf32>
    %swap3A_52 = arith.constant 0 : index
    %swap3A_53 = vector.load %arg15[%swap3A_52] : memref<65536xf32, #tpu.memory_space<vmem>>, vector<65536xf32>
    tpu.vector_store %arg15[%swap3A_52], %reshape3A_51 {strides = array<i32>} : memref<65536xf32, #tpu.memory_space<vmem>>, vector<65536xf32>,
    %slice3A_54 = vector.extract_strided_slice %get3A_1 {offsets = [13, 0], sizes = [1, 65536], strides = [1, 1]} : vector<16x65536xf32> to vector<1x65536xf32>
    %reshape3A_55 = vector.shape_cast %slice3A_54 : vector<1x65536xf32> to vector<65536xf32>
    %swap3A_56 = arith.constant 0 : index
    %swap3A_57 = vector.load %arg16[%swap3A_56] : memref<65536xf32, #tpu.memory_space<vmem>>, vector<65536xf32>
    tpu.vector_store %arg16[%swap3A_56], %reshape3A_55 {strides = array<i32>} : memref<65536xf32, #tpu.memory_space<vmem>>, vector<65536xf32>,
    %slice3A_58 = vector.extract_strided_slice %get3A_1 {offsets = [14, 0], sizes = [1, 65536], strides = [1, 1]} : vector<16x65536xf32> to vector<1x65536xf32>
    %reshape3A_59 = vector.shape_cast %slice3A_58 : vector<1x65536xf32> to vector<65536xf32>
    %swap3A_60 = arith.constant 0 : index
    %swap3A_61 = vector.load %arg17[%swap3A_60] : memref<65536xf32, #tpu.memory_space<vmem>>, vector<65536xf32>
    tpu.vector_store %arg17[%swap3A_60], %reshape3A_59 {strides = array<i32>} : memref<65536xf32, #tpu.memory_space<vmem>>, vector<65536xf32>,
    %slice3A_62 = vector.extract_strided_slice %get3A_1 {offsets = [15, 0], sizes = [1, 65536], strides = [1, 1]} : vector<16x65536xf32> to vector<1x65536xf32>
    %reshape3A_63 = vector.shape_cast %slice3A_62 : vector<1x65536xf32> to vector<65536xf32>
    %swap3A_64 = arith.constant 0 : index
    %swap3A_65 = vector.load %arg18[%swap3A_64] : memref<65536xf32, #tpu.memory_space<vmem>>, vector<65536xf32>
    tpu.vector_store %arg18[%swap3A_64], %reshape3A_63 {strides = array<i32>} : memref<65536xf32, #tpu.memory_space<vmem>>, vector<65536xf32>,
    return
  }
  func.func @transform_0(%arg0: i32) -> (i32, i32) {
    %c0_i32 = arith.constant 0 : i32
    %c0_i32_0 = arith.constant 0 : i32
    return %c0_i32, %arg0 : i32, i32
  }
  func.func @transform_1(%arg0: i32) -> (i32, i32) {
    %c0_i32 = arith.constant 0 : i32
    %c0_i32_0 = arith.constant 0 : i32
    return %c0_i32, %arg0 : i32, i32
  }
  func.func @transform_2(%arg0: i32) -> i32 {
    %c0_i32 = arith.constant 0 : i32
    return %arg0 : i32
  }
  func.func @transform_3(%arg0: i32) -> i32 {
    %c0_i32 = arith.constant 0 : i32
    return %arg0 : i32
  }
  func.func @transform_4(%arg0: i32) -> i32 {
    %c0_i32 = arith.constant 0 : i32
    return %arg0 : i32
  }
  func.func @transform_5(%arg0: i32) -> i32 {
    %c0_i32 = arith.constant 0 : i32
    return %arg0 : i32
  }
  func.func @transform_6(%arg0: i32) -> i32 {
    %c0_i32 = arith.constant 0 : i32
    return %arg0 : i32
  }
  func.func @transform_7(%arg0: i32) -> i32 {
    %c0_i32 = arith.constant 0 : i32
    return %arg0 : i32
  }
  func.func @transform_8(%arg0: i32) -> i32 {
    %c0_i32 = arith.constant 0 : i32
    return %arg0 : i32
  }
  func.func @transform_9(%arg0: i32) -> i32 {
    %c0_i32 = arith.constant 0 : i32
    return %arg0 : i32
  }
  func.func @transform_10(%arg0: i32) -> i32 {
    %c0_i32 = arith.constant 0 : i32
    return %arg0 : i32
  }
  func.func @transform_11(%arg0: i32) -> i32 {
    %c0_i32 = arith.constant 0 : i32
    return %arg0 : i32
  }
  func.func @transform_12(%arg0: i32) -> i32 {
    %c0_i32 = arith.constant 0 : i32
    return %arg0 : i32
  }
  func.func @transform_13(%arg0: i32) -> i32 {
    %c0_i32 = arith.constant 0 : i32
    return %arg0 : i32
  }
  func.func @transform_14(%arg0: i32) -> i32 {
    %c0_i32 = arith.constant 0 : i32
    return %arg0 : i32
  }
  func.func @transform_15(%arg0: i32) -> i32 {
    %c0_i32 = arith.constant 0 : i32
    return %arg0 : i32
  }
  func.func @transform_16(%arg0: i32) -> i32 {
    %c0_i32 = arith.constant 0 : i32
    return %arg0 : i32
  }
  func.func @transform_17(%arg0: i32) -> i32 {
    %c0_i32 = arith.constant 0 : i32
    return %arg0 : i32
  }
}

module attributes {stable_mosaic.version = 14 : i64} {
  func.func @_fused_body(%arg0: i32, %arg1: memref<1xi32, #tpu.memory_space<smem>>, %arg2: memref<1x16384xf32, #tpu.memory_space<vmem>>, %arg3: memref<1x16384xf32, #tpu.memory_space<vmem>>, %arg4: memref<1x16384xf32, #tpu.memory_space<vmem>>, %arg5: memref<1x16384xf32, #tpu.memory_space<vmem>>, %arg6: memref<1x16384xf32, #tpu.memory_space<vmem>>, %arg7: memref<1x16384xf32, #tpu.memory_space<vmem>>, %arg8: memref<1x16384xf32, #tpu.memory_space<vmem>>, %arg9: memref<1x16384xf32, #tpu.memory_space<vmem>>, %arg10: memref<1x16384xf32, #tpu.memory_space<vmem>>, %arg11: memref<1x16384xf32, #tpu.memory_space<vmem>>, %arg12: memref<1x16384xf32, #tpu.memory_space<vmem>>, %arg13: memref<1x16384xf32, #tpu.memory_space<vmem>>, %arg14: memref<1x16384xf32, #tpu.memory_space<vmem>>, %arg15: memref<1x16384xf32, #tpu.memory_space<vmem>>, %arg16: memref<1x16384xf32, #tpu.memory_space<vmem>>, %arg17: memref<1x16384xf32, #tpu.memory_space<vmem>>, %arg18: memref<1x16384xi32, #tpu.memory_space<vmem>>, %arg19: memref<16x128xf32, #tpu.memory_space<vmem>>, %arg20: memref<5x128xf32, #tpu.memory_space<vmem>>, %arg21: memref<1x1xf32, #tpu.memory_space<smem>>, %arg22: memref<16x128xf32, #tpu.memory_space<vmem>>, %arg23: memref<5x128xf32, #tpu.memory_space<vmem>>) attributes {dimension_semantics = [#tpu.dimension_semantics<arbitrary>], iteration_bounds = array<i64: 1>, scalar_prefetch = 1 : i64, scratch_operands = 0 : i64, tpu.core_type = #tpu.core_type<tc>, window_params = [{pipeline_mode = #tpu.pipeline_mode<synchronous>, transform_indices = @transform_0, window_bounds = array<i64: 1, 16384>}, {pipeline_mode = #tpu.pipeline_mode<synchronous>, transform_indices = @transform_1, window_bounds = array<i64: 1, 16384>}, {pipeline_mode = #tpu.pipeline_mode<synchronous>, transform_indices = @transform_2, window_bounds = array<i64: 1, 16384>}, {pipeline_mode = #tpu.pipeline_mode<synchronous>, transform_indices = @transform_3, window_bounds = array<i64: 1, 16384>}, {pipeline_mode = #tpu.pipeline_mode<synchronous>, transform_indices = @transform_4, window_bounds = array<i64: 1, 16384>}, {pipeline_mode = #tpu.pipeline_mode<synchronous>, transform_indices = @transform_5, window_bounds = array<i64: 1, 16384>}, {pipeline_mode = #tpu.pipeline_mode<synchronous>, transform_indices = @transform_6, window_bounds = array<i64: 1, 16384>}, {pipeline_mode = #tpu.pipeline_mode<synchronous>, transform_indices = @transform_7, window_bounds = array<i64: 1, 16384>}, {pipeline_mode = #tpu.pipeline_mode<synchronous>, transform_indices = @transform_8, window_bounds = array<i64: 1, 16384>}, {pipeline_mode = #tpu.pipeline_mode<synchronous>, transform_indices = @transform_9, window_bounds = array<i64: 1, 16384>}, {pipeline_mode = #tpu.pipeline_mode<synchronous>, transform_indices = @transform_10, window_bounds = array<i64: 1, 16384>}, {pipeline_mode = #tpu.pipeline_mode<synchronous>, transform_indices = @transform_11, window_bounds = array<i64: 1, 16384>}, {pipeline_mode = #tpu.pipeline_mode<synchronous>, transform_indices = @transform_12, window_bounds = array<i64: 1, 16384>}, {pipeline_mode = #tpu.pipeline_mode<synchronous>, transform_indices = @transform_13, window_bounds = array<i64: 1, 16384>}, {pipeline_mode = #tpu.pipeline_mode<synchronous>, transform_indices = @transform_14, window_bounds = array<i64: 1, 16384>}, {pipeline_mode = #tpu.pipeline_mode<synchronous>, transform_indices = @transform_15, window_bounds = array<i64: 1, 16384>}, {pipeline_mode = #tpu.pipeline_mode<synchronous>, transform_indices = @transform_16, window_bounds = array<i64: 1, 16384>}, {transform_indices = @transform_17, window_bounds = array<i64: 16, 128>}, {transform_indices = @transform_18, window_bounds = array<i64: 5, 128>}, {transform_indices = @transform_19, window_bounds = array<i64: 1, 1>}, {transform_indices = @transform_20, window_bounds = array<i64: 16, 128>}, {transform_indices = @transform_21, window_bounds = array<i64: 5, 128>}]} {
    %get3A = arith.constant 0 : index
    %get3A_0 = memref.load %arg1[%get3A] : memref<1xi32, #tpu.memory_space<smem>>
    %jit3A = arith.constant 128 : i32
    %eq3A = arith.constant 0 : i32
    %eq3A_1 = arith.cmpi eq, %jit3A, %eq3A : i32
    %jit3A_2 = arith.constant 1 : i32
    %select_n3A = arith.select %eq3A_1, %jit3A_2, %jit3A : i32
    %rem3A = arith.remsi %get3A_0, %select_n3A : i32
    %ne3A = arith.constant 0 : i32
    %ne3A_3 = arith.cmpi ne, %rem3A, %ne3A : i32
    %lt3A = arith.constant 0 : i32
    %lt3A_4 = arith.cmpi slt, %rem3A, %lt3A : i32
    %lt3A_5 = arith.constant 0 : i32
    %lt3A_6 = arith.cmpi slt, %select_n3A, %lt3A_5 : i32
    %ne3A_7 = arith.xori %lt3A_4, %lt3A_6 : i1
    %and3A = arith.andi %ne3A_7, %ne3A_3 : i1
    %add3A = arith.addi %rem3A, %select_n3A : i32
    %select_n3A_8 = arith.select %and3A, %add3A, %rem3A : i32
    %iota3A = tpu.iota {dimensions = array<i32: 0>} : vector<128x1xi32>
    %eq3A_9 = vector.broadcast %select_n3A_8 : i32 to vector<128x1xi32>
    %eq3A_10 = arith.cmpi eq, %iota3A, %eq3A_9 : vector<128x1xi32>
    %convert_element_type3A = arith.extui %eq3A_10 : vector<128x1xi1> to vector<128x1xi32>
    %convert_element_type3A_11 = arith.sitofp %convert_element_type3A : vector<128x1xi32> to vector<128x1xf32>
    %get3A_12 = arith.constant 0 : index
    %get3A_13 = arith.constant 0 : index
    %get3A_14 = vector.load %arg19[%get3A_12, %get3A_13] : memref<16x128xf32, #tpu.memory_space<vmem>>, vector<16x128xf32>
    %dot_general3A = arith.constant dense<0.000000e+00> : vector<16x1xf32>
    %dot_general3A_15 = tpu.matmul %get3A_14, %convert_element_type3A_11, %dot_general3A {dimension_numbers = #tpu.dot_dimension_numbers<[1], [0], [0], [1], [0, 0, 1, 1], [], []>, transpose_lhs_hint = false} : vector<16x128xf32>, vector<128x1xf32>, vector<16x1xf32> -> vector<16x1xf32>
    %get3A_16 = arith.constant 0 : index
    %get3A_17 = arith.constant 0 : index
    %get3A_18 = vector.load %arg20[%get3A_16, %get3A_17] : memref<5x128xf32, #tpu.memory_space<vmem>>, vector<5x128xf32>
    %dot_general3A_19 = arith.constant dense<0.000000e+00> : vector<5x1xf32>
    %dot_general3A_20 = tpu.matmul %get3A_18, %convert_element_type3A_11, %dot_general3A_19 {dimension_numbers = #tpu.dot_dimension_numbers<[1], [0], [0], [1], [0, 0, 1, 1], [], []>, transpose_lhs_hint = false} : vector<5x128xf32>, vector<128x1xf32>, vector<5x1xf32> -> vector<5x1xf32>
    %get3A_21 = arith.constant 0 : index
    %get3A_22 = arith.constant 0 : index
    %get3A_23 = vector.load %arg2[%get3A_21, %get3A_22] : memref<1x16384xf32, #tpu.memory_space<vmem>>, vector<1x16384xf32>
    %get3A_24 = arith.constant 0 : index
    %get3A_25 = arith.constant 0 : index
    %get3A_26 = vector.load %arg3[%get3A_24, %get3A_25] : memref<1x16384xf32, #tpu.memory_space<vmem>>, vector<1x16384xf32>
    %get3A_27 = arith.constant 0 : index
    %get3A_28 = arith.constant 0 : index
    %get3A_29 = vector.load %arg4[%get3A_27, %get3A_28] : memref<1x16384xf32, #tpu.memory_space<vmem>>, vector<1x16384xf32>
    %get3A_30 = arith.constant 0 : index
    %get3A_31 = arith.constant 0 : index
    %get3A_32 = vector.load %arg5[%get3A_30, %get3A_31] : memref<1x16384xf32, #tpu.memory_space<vmem>>, vector<1x16384xf32>
    %get3A_33 = arith.constant 0 : index
    %get3A_34 = arith.constant 0 : index
    %get3A_35 = vector.load %arg6[%get3A_33, %get3A_34] : memref<1x16384xf32, #tpu.memory_space<vmem>>, vector<1x16384xf32>
    %get3A_36 = arith.constant 0 : index
    %get3A_37 = arith.constant 0 : index
    %get3A_38 = vector.load %arg7[%get3A_36, %get3A_37] : memref<1x16384xf32, #tpu.memory_space<vmem>>, vector<1x16384xf32>
    %get3A_39 = arith.constant 0 : index
    %get3A_40 = arith.constant 0 : index
    %get3A_41 = vector.load %arg8[%get3A_39, %get3A_40] : memref<1x16384xf32, #tpu.memory_space<vmem>>, vector<1x16384xf32>
    %get3A_42 = arith.constant 0 : index
    %get3A_43 = arith.constant 0 : index
    %get3A_44 = vector.load %arg9[%get3A_42, %get3A_43] : memref<1x16384xf32, #tpu.memory_space<vmem>>, vector<1x16384xf32>
    %get3A_45 = arith.constant 0 : index
    %get3A_46 = arith.constant 0 : index
    %get3A_47 = vector.load %arg10[%get3A_45, %get3A_46] : memref<1x16384xf32, #tpu.memory_space<vmem>>, vector<1x16384xf32>
    %get3A_48 = arith.constant 0 : index
    %get3A_49 = arith.constant 0 : index
    %get3A_50 = vector.load %arg11[%get3A_48, %get3A_49] : memref<1x16384xf32, #tpu.memory_space<vmem>>, vector<1x16384xf32>
    %get3A_51 = arith.constant 0 : index
    %get3A_52 = arith.constant 0 : index
    %get3A_53 = vector.load %arg12[%get3A_51, %get3A_52] : memref<1x16384xf32, #tpu.memory_space<vmem>>, vector<1x16384xf32>
    %get3A_54 = arith.constant 0 : index
    %get3A_55 = arith.constant 0 : index
    %get3A_56 = vector.load %arg13[%get3A_54, %get3A_55] : memref<1x16384xf32, #tpu.memory_space<vmem>>, vector<1x16384xf32>
    %get3A_57 = arith.constant 0 : index
    %get3A_58 = arith.constant 0 : index
    %get3A_59 = vector.load %arg14[%get3A_57, %get3A_58] : memref<1x16384xf32, #tpu.memory_space<vmem>>, vector<1x16384xf32>
    %get3A_60 = arith.constant 0 : index
    %get3A_61 = arith.constant 0 : index
    %get3A_62 = vector.load %arg15[%get3A_60, %get3A_61] : memref<1x16384xf32, #tpu.memory_space<vmem>>, vector<1x16384xf32>
    %get3A_63 = arith.constant 0 : index
    %get3A_64 = arith.constant 0 : index
    %get3A_65 = vector.load %arg16[%get3A_63, %get3A_64] : memref<1x16384xf32, #tpu.memory_space<vmem>>, vector<1x16384xf32>
    %get3A_66 = arith.constant 0 : index
    %get3A_67 = arith.constant 0 : index
    %get3A_68 = vector.load %arg17[%get3A_66, %get3A_67] : memref<1x16384xf32, #tpu.memory_space<vmem>>, vector<1x16384xf32>
    %concatenate3A = tpu.concatenate %get3A_23, %get3A_26, %get3A_29, %get3A_32, %get3A_35, %get3A_38, %get3A_41, %get3A_44, %get3A_47, %get3A_50, %get3A_53, %get3A_56, %get3A_59, %get3A_62, %get3A_65, %get3A_68 in 0 : vector<1x16384xf32>, vector<1x16384xf32>, vector<1x16384xf32>, vector<1x16384xf32>, vector<1x16384xf32>, vector<1x16384xf32>, vector<1x16384xf32>, vector<1x16384xf32>, vector<1x16384xf32>, vector<1x16384xf32>, vector<1x16384xf32>, vector<1x16384xf32>, vector<1x16384xf32>, vector<1x16384xf32>, vector<1x16384xf32>, vector<1x16384xf32> -> vector<16x16384xf32>
    %dot_general3A_69 = arith.constant dense<0.000000e+00> : vector<1x16384xf32>
    %dot_general3A_70 = tpu.matmul %dot_general3A_15, %concatenate3A, %dot_general3A_69 {dimension_numbers = #tpu.dot_dimension_numbers<[0], [0], [1], [1], [0, 1, 1, 1], [], []>, transpose_lhs_hint = false} : vector<16x1xf32>, vector<16x16384xf32>, vector<1x16384xf32> -> vector<1x16384xf32>
    %get3A_71 = arith.constant 0 : index
    %get3A_72 = arith.constant 0 : index
    %get3A_73 = vector.load %arg18[%get3A_71, %get3A_72] : memref<1x16384xi32, #tpu.memory_space<vmem>>, vector<1x16384xi32>
    %convert_element_type3A_74 = arith.sitofp %get3A_73 : vector<1x16384xi32> to vector<1x16384xf32>
    %sub3A = vector.broadcast %dot_general3A_70 : vector<1x16384xf32> to vector<5x16384xf32>
    %sub3A_75 = vector.broadcast %dot_general3A_20 : vector<5x1xf32> to vector<5x16384xf32>
    %sub3A_76 = arith.subf %sub3A, %sub3A_75 : vector<5x16384xf32>
    %iota3A_77 = tpu.iota {dimensions = array<i32: 0>} : vector<5x1xi32>
    %le3A = arith.constant 0.000000e+00 : f32
    %le3A_78 = vector.broadcast %le3A : f32 to vector<5x16384xf32>
    %le3A_79 = arith.cmpf ole, %sub3A_76, %le3A_78 : vector<5x16384xf32>
    %jit3A_80 = arith.constant 5 : i32
    %broadcast_in_dim3A = vector.shape_cast %iota3A_77 : vector<5x1xi32> to vector<5x1xi32>
    %broadcast_in_dim3A_81 = vector.broadcast %broadcast_in_dim3A : vector<5x1xi32> to vector<5x16384xi32>
    %broadcast_in_dim3A_82 = vector.broadcast %jit3A_80 : i32 to vector<5x16384xi32>
    %select_n3A_83 = arith.select %le3A_79, %broadcast_in_dim3A_81, %broadcast_in_dim3A_82 : vector<5x16384xi1>, vector<5x16384xi32>
    %reduce_min3A = arith.constant dense<2147483647> : vector<16384xi32>
    %reduce_min3A_84 = vector.multi_reduction <minsi>, %select_n3A_83, %reduce_min3A [0] : vector<5x16384xi32> to vector<16384xi32>
    %broadcast_in_dim3A_85 = vector.shape_cast %reduce_min3A_84 : vector<16384xi32> to vector<1x16384xi32>
    %lt3A_86 = arith.constant 5 : i32
    %lt3A_87 = vector.broadcast %lt3A_86 : i32 to vector<1x16384xi32>
    %lt3A_88 = arith.cmpi slt, %broadcast_in_dim3A_85, %lt3A_87 : vector<1x16384xi32>
    %add3A_89 = arith.constant 1 : i32
    %add3A_90 = vector.broadcast %add3A_89 : i32 to vector<1x16384xi32>
    %add3A_91 = arith.addi %broadcast_in_dim3A_85, %add3A_90 : vector<1x16384xi32>
    %jit3A_92 = arith.constant 6 : i32
    %broadcast_in_dim3A_93 = vector.broadcast %jit3A_92 : i32 to vector<1x16384xi32>
    %select_n3A_94 = arith.select %lt3A_88, %add3A_91, %broadcast_in_dim3A_93 : vector<1x16384xi1>, vector<1x16384xi32>
    %eq3A_95 = arith.cmpi eq, %select_n3A_94, %get3A_73 : vector<1x16384xi32>
    %convert_element_type3A_96 = arith.extui %eq3A_95 : vector<1x16384xi1> to vector<1x16384xi32>
    %convert_element_type3A_97 = arith.sitofp %convert_element_type3A_96 : vector<1x16384xi32> to vector<1x16384xf32>
    %reduce_sum3A = vector.shape_cast %convert_element_type3A_97 : vector<1x16384xf32> to vector<1x1x16384xf32>
    %reduce_sum3A_98 = arith.constant dense<0.000000e+00> : vector<1xf32>
    %reduce_sum3A_99 = vector.multi_reduction <add>, %reduce_sum3A, %reduce_sum3A_98 [1, 2] : vector<1x1x16384xf32> to vector<1xf32>
    %reduce_sum3A_100 = vector.shape_cast %reduce_sum3A_99 : vector<1xf32> to vector<1x1x1xf32>
    %reduce_sum3A_101 = vector.extract %reduce_sum3A_100[0, 0, 0] : f32 from vector<1x1x1xf32>
    %div3A = arith.constant 1.638400e+04 : f32
    %div3A_102 = arith.divf %reduce_sum3A_101, %div3A : f32
    %swap3A = arith.constant 0 : index
    %swap3A_103 = arith.constant 0 : index
    %swap3A_104 = memref.load %arg21[%swap3A, %swap3A_103] : memref<1x1xf32, #tpu.memory_space<smem>>
    memref.store %div3A_102, %arg21[%swap3A, %swap3A_103] : memref<1x1xf32, #tpu.memory_space<smem>>
    %lt3A_105 = vector.broadcast %iota3A_77 : vector<5x1xi32> to vector<5x16384xi32>
    %lt3A_106 = vector.broadcast %get3A_73 : vector<1x16384xi32> to vector<5x16384xi32>
    %lt3A_107 = arith.cmpi slt, %lt3A_105, %lt3A_106 : vector<5x16384xi32>
    %gt3A = arith.constant 0.000000e+00 : f32
    %gt3A_108 = vector.broadcast %gt3A : f32 to vector<5x16384xf32>
    %gt3A_109 = arith.cmpf ogt, %sub3A_76, %gt3A_108 : vector<5x16384xf32>
    %and3A_110 = arith.andi %gt3A_109, %lt3A_107 : vector<5x16384xi1>
    %lt3A_111 = arith.constant 0.000000e+00 : f32
    %lt3A_112 = vector.broadcast %lt3A_111 : f32 to vector<5x16384xf32>
    %lt3A_113 = arith.cmpf olt, %sub3A_76, %lt3A_112 : vector<5x16384xf32>
    %not3A = arith.constant dense<true> : vector<5x16384xi1>
    %not3A_114 = arith.xori %lt3A_107, %not3A : vector<5x16384xi1>
    %and3A_115 = arith.andi %lt3A_113, %not3A_114 : vector<5x16384xi1>
    %or3A = arith.ori %and3A_110, %and3A_115 : vector<5x16384xi1>
    %jit3A_116 = arith.constant 0.000000e+00 : f32
    %broadcast_in_dim3A_117 = vector.broadcast %jit3A_116 : f32 to vector<5x16384xf32>
    %broadcast_in_dim3A_118 = vector.shape_cast %convert_element_type3A_74 : vector<1x16384xf32> to vector<1x16384xf32>
    %broadcast_in_dim3A_119 = vector.broadcast %broadcast_in_dim3A_118 : vector<1x16384xf32> to vector<5x16384xf32>
    %select_n3A_120 = arith.select %or3A, %broadcast_in_dim3A_117, %broadcast_in_dim3A_119 : vector<5x16384xi1>, vector<5x16384xf32>
    %reduce_sum3A_121 = arith.constant dense<0.000000e+00> : vector<5xf32>
    %reduce_sum3A_122 = vector.multi_reduction <add>, %select_n3A_120, %reduce_sum3A_121 [1] : vector<5x16384xf32> to vector<5xf32>
    %broadcast_in_dim3A_123 = vector.shape_cast %reduce_sum3A_122 : vector<5xf32> to vector<5x1xf32>
    %div3A_124 = arith.constant 1.638400e+04 : f32
    %div3A_125 = vector.broadcast %div3A_124 : f32 to vector<5x1xf32>
    %div3A_126 = arith.divf %broadcast_in_dim3A_123, %div3A_125 : vector<5x1xf32>
    %reduce_sum3A_127 = arith.constant dense<0.000000e+00> : vector<16384xf32>
    %reduce_sum3A_128 = vector.multi_reduction <add>, %select_n3A_120, %reduce_sum3A_127 [0] : vector<5x16384xf32> to vector<16384xf32>
    %broadcast_in_dim3A_129 = vector.shape_cast %reduce_sum3A_128 : vector<16384xf32> to vector<1x16384xf32>
    %dot_general3A_130 = arith.constant dense<0.000000e+00> : vector<16x1xf32>
    %dot_general3A_131 = tpu.matmul %concatenate3A, %broadcast_in_dim3A_129, %dot_general3A_130 {dimension_numbers = #tpu.dot_dimension_numbers<[1], [1], [0], [0], [0, 0, 1, 0], [], []>, transpose_lhs_hint = false} : vector<16x16384xf32>, vector<1x16384xf32>, vector<16x1xf32> -> vector<16x1xf32>
    %div3A_132 = arith.constant 1.638400e+04 : f32
    %div3A_133 = vector.broadcast %div3A_132 : f32 to vector<16x1xf32>
    %div3A_134 = arith.divf %dot_general3A_131, %div3A_133 : vector<16x1xf32>
    %iota3A_135 = tpu.iota {dimensions = array<i32: 1>} : vector<1x128xi32>
    %eq3A_136 = vector.broadcast %select_n3A_8 : i32 to vector<1x128xi32>
    %eq3A_137 = arith.cmpi eq, %iota3A_135, %eq3A_136 : vector<1x128xi32>
    %convert_element_type3A_138 = arith.extui %eq3A_137 : vector<1x128xi1> to vector<1x128xi32>
    %convert_element_type3A_139 = arith.sitofp %convert_element_type3A_138 : vector<1x128xi32> to vector<1x128xf32>
    %get3A_140 = arith.constant 0 : index
    %get3A_141 = arith.constant 0 : index
    %get3A_142 = vector.load %arg19[%get3A_140, %get3A_141] : memref<16x128xf32, #tpu.memory_space<vmem>>, vector<16x128xf32>
    %mul3A = vector.broadcast %div3A_134 : vector<16x1xf32> to vector<16x128xf32>
    %mul3A_143 = vector.broadcast %convert_element_type3A_139 : vector<1x128xf32> to vector<16x128xf32>
    %mul3A_144 = arith.mulf %mul3A, %mul3A_143 : vector<16x128xf32>
    %add3A_145 = arith.addf %get3A_142, %mul3A_144 : vector<16x128xf32>
    %swap3A_146 = arith.constant 0 : index
    %swap3A_147 = arith.constant 0 : index
    %swap3A_148 = vector.load %arg22[%swap3A_146, %swap3A_147] : memref<16x128xf32, #tpu.memory_space<vmem>>, vector<16x128xf32>
    tpu.vector_store %arg22[%swap3A_146, %swap3A_147], %add3A_145 {strides = array<i32>} : memref<16x128xf32, #tpu.memory_space<vmem>>, vector<16x128xf32>,
    %get3A_149 = arith.constant 0 : index
    %get3A_150 = arith.constant 0 : index
    %get3A_151 = vector.load %arg20[%get3A_149, %get3A_150] : memref<5x128xf32, #tpu.memory_space<vmem>>, vector<5x128xf32>
    %mul3A_152 = vector.broadcast %div3A_126 : vector<5x1xf32> to vector<5x128xf32>
    %mul3A_153 = vector.broadcast %convert_element_type3A_139 : vector<1x128xf32> to vector<5x128xf32>
    %mul3A_154 = arith.mulf %mul3A_152, %mul3A_153 : vector<5x128xf32>
    %sub3A_155 = arith.subf %get3A_151, %mul3A_154 : vector<5x128xf32>
    %swap3A_156 = arith.constant 0 : index
    %swap3A_157 = arith.constant 0 : index
    %swap3A_158 = vector.load %arg23[%swap3A_156, %swap3A_157] : memref<5x128xf32, #tpu.memory_space<vmem>>, vector<5x128xf32>
    tpu.vector_store %arg23[%swap3A_156, %swap3A_157], %sub3A_155 {strides = array<i32>} : memref<5x128xf32, #tpu.memory_space<vmem>>, vector<5x128xf32>,
    return
  }
  func.func @transform_0(%arg0: i32, %arg1: memref<1xi32, #tpu.memory_space<smem>>) -> (i32, i32) {
    %c0_i32 = arith.constant 0 : i32
    %c0_i32_0 = arith.constant 0 : i32
    %c0_i32_1 = arith.constant 0 : i32
    return %c0_i32, %c0_i32_0 : i32, i32
  }
  func.func @transform_1(%arg0: i32, %arg1: memref<1xi32, #tpu.memory_space<smem>>) -> (i32, i32) {
    %c0_i32 = arith.constant 0 : i32
    %c0_i32_0 = arith.constant 0 : i32
    %c0_i32_1 = arith.constant 0 : i32
    return %c0_i32, %c0_i32_0 : i32, i32
  }
  func.func @transform_2(%arg0: i32, %arg1: memref<1xi32, #tpu.memory_space<smem>>) -> (i32, i32) {
    %c0_i32 = arith.constant 0 : i32
    %c0_i32_0 = arith.constant 0 : i32
    %c0_i32_1 = arith.constant 0 : i32
    return %c0_i32, %c0_i32_0 : i32, i32
  }
  func.func @transform_3(%arg0: i32, %arg1: memref<1xi32, #tpu.memory_space<smem>>) -> (i32, i32) {
    %c0_i32 = arith.constant 0 : i32
    %c0_i32_0 = arith.constant 0 : i32
    %c0_i32_1 = arith.constant 0 : i32
    return %c0_i32, %c0_i32_0 : i32, i32
  }
  func.func @transform_4(%arg0: i32, %arg1: memref<1xi32, #tpu.memory_space<smem>>) -> (i32, i32) {
    %c0_i32 = arith.constant 0 : i32
    %c0_i32_0 = arith.constant 0 : i32
    %c0_i32_1 = arith.constant 0 : i32
    return %c0_i32, %c0_i32_0 : i32, i32
  }
  func.func @transform_5(%arg0: i32, %arg1: memref<1xi32, #tpu.memory_space<smem>>) -> (i32, i32) {
    %c0_i32 = arith.constant 0 : i32
    %c0_i32_0 = arith.constant 0 : i32
    %c0_i32_1 = arith.constant 0 : i32
    return %c0_i32, %c0_i32_0 : i32, i32
  }
  func.func @transform_6(%arg0: i32, %arg1: memref<1xi32, #tpu.memory_space<smem>>) -> (i32, i32) {
    %c0_i32 = arith.constant 0 : i32
    %c0_i32_0 = arith.constant 0 : i32
    %c0_i32_1 = arith.constant 0 : i32
    return %c0_i32, %c0_i32_0 : i32, i32
  }
  func.func @transform_7(%arg0: i32, %arg1: memref<1xi32, #tpu.memory_space<smem>>) -> (i32, i32) {
    %c0_i32 = arith.constant 0 : i32
    %c0_i32_0 = arith.constant 0 : i32
    %c0_i32_1 = arith.constant 0 : i32
    return %c0_i32, %c0_i32_0 : i32, i32
  }
  func.func @transform_8(%arg0: i32, %arg1: memref<1xi32, #tpu.memory_space<smem>>) -> (i32, i32) {
    %c0_i32 = arith.constant 0 : i32
    %c0_i32_0 = arith.constant 0 : i32
    %c0_i32_1 = arith.constant 0 : i32
    return %c0_i32, %c0_i32_0 : i32, i32
  }
  func.func @transform_9(%arg0: i32, %arg1: memref<1xi32, #tpu.memory_space<smem>>) -> (i32, i32) {
    %c0_i32 = arith.constant 0 : i32
    %c0_i32_0 = arith.constant 0 : i32
    %c0_i32_1 = arith.constant 0 : i32
    return %c0_i32, %c0_i32_0 : i32, i32
  }
  func.func @transform_10(%arg0: i32, %arg1: memref<1xi32, #tpu.memory_space<smem>>) -> (i32, i32) {
    %c0_i32 = arith.constant 0 : i32
    %c0_i32_0 = arith.constant 0 : i32
    %c0_i32_1 = arith.constant 0 : i32
    return %c0_i32, %c0_i32_0 : i32, i32
  }
  func.func @transform_11(%arg0: i32, %arg1: memref<1xi32, #tpu.memory_space<smem>>) -> (i32, i32) {
    %c0_i32 = arith.constant 0 : i32
    %c0_i32_0 = arith.constant 0 : i32
    %c0_i32_1 = arith.constant 0 : i32
    return %c0_i32, %c0_i32_0 : i32, i32
  }
  func.func @transform_12(%arg0: i32, %arg1: memref<1xi32, #tpu.memory_space<smem>>) -> (i32, i32) {
    %c0_i32 = arith.constant 0 : i32
    %c0_i32_0 = arith.constant 0 : i32
    %c0_i32_1 = arith.constant 0 : i32
    return %c0_i32, %c0_i32_0 : i32, i32
  }
  func.func @transform_13(%arg0: i32, %arg1: memref<1xi32, #tpu.memory_space<smem>>) -> (i32, i32) {
    %c0_i32 = arith.constant 0 : i32
    %c0_i32_0 = arith.constant 0 : i32
    %c0_i32_1 = arith.constant 0 : i32
    return %c0_i32, %c0_i32_0 : i32, i32
  }
  func.func @transform_14(%arg0: i32, %arg1: memref<1xi32, #tpu.memory_space<smem>>) -> (i32, i32) {
    %c0_i32 = arith.constant 0 : i32
    %c0_i32_0 = arith.constant 0 : i32
    %c0_i32_1 = arith.constant 0 : i32
    return %c0_i32, %c0_i32_0 : i32, i32
  }
  func.func @transform_15(%arg0: i32, %arg1: memref<1xi32, #tpu.memory_space<smem>>) -> (i32, i32) {
    %c0_i32 = arith.constant 0 : i32
    %c0_i32_0 = arith.constant 0 : i32
    %c0_i32_1 = arith.constant 0 : i32
    return %c0_i32, %c0_i32_0 : i32, i32
  }
  func.func @transform_16(%arg0: i32, %arg1: memref<1xi32, #tpu.memory_space<smem>>) -> (i32, i32) {
    %c0_i32 = arith.constant 0 : i32
    %c0_i32_0 = arith.constant 0 : i32
    %c0_i32_1 = arith.constant 0 : i32
    return %c0_i32, %c0_i32_0 : i32, i32
  }
  func.func @transform_17(%arg0: i32, %arg1: memref<1xi32, #tpu.memory_space<smem>>) -> (i32, i32) {
    %get3A = arith.constant 0 : index
    %get3A_0 = memref.load %arg1[%get3A] : memref<1xi32, #tpu.memory_space<smem>>
    %jit3A = arith.constant 128 : i32
    %div3A = arith.divsi %get3A_0, %jit3A : i32
    %sign3A = arith.constant 0 : i32
    %sign3A_1 = arith.cmpi sgt, %get3A_0, %sign3A : i32
    %sign3A_2 = arith.extui %sign3A_1 : i1 to i32
    %sign3A_3 = arith.constant 0 : i32
    %sign3A_4 = arith.cmpi slt, %get3A_0, %sign3A_3 : i32
    %sign3A_5 = arith.extui %sign3A_4 : i1 to i32
    %sign3A_6 = arith.subi %sign3A_2, %sign3A_5 : i32
    %sign3A_7 = arith.constant 0 : i32
    %sign3A_8 = arith.cmpi sgt, %jit3A, %sign3A_7 : i32
    %sign3A_9 = arith.extui %sign3A_8 : i1 to i32
    %sign3A_10 = arith.constant 0 : i32
    %sign3A_11 = arith.cmpi slt, %jit3A, %sign3A_10 : i32
    %sign3A_12 = arith.extui %sign3A_11 : i1 to i32
    %sign3A_13 = arith.subi %sign3A_9, %sign3A_12 : i32
    %ne3A = arith.cmpi ne, %sign3A_6, %sign3A_13 : i32
    %rem3A = arith.remsi %get3A_0, %jit3A : i32
    %ne3A_14 = arith.constant 0 : i32
    %ne3A_15 = arith.cmpi ne, %rem3A, %ne3A_14 : i32
    %and3A = arith.andi %ne3A, %ne3A_15 : i1
    %sub3A = arith.constant 1 : i32
    %sub3A_16 = arith.subi %div3A, %sub3A : i32
    %select_n3A = arith.select %and3A, %sub3A_16, %div3A : i32
    %c0_i32 = arith.constant 0 : i32
    %c0_i32_17 = arith.constant 0 : i32
    return %c0_i32, %select_n3A : i32, i32
  }
  func.func @transform_18(%arg0: i32, %arg1: memref<1xi32, #tpu.memory_space<smem>>) -> (i32, i32) {
    %get3A = arith.constant 0 : index
    %get3A_0 = memref.load %arg1[%get3A] : memref<1xi32, #tpu.memory_space<smem>>
    %jit3A = arith.constant 128 : i32
    %div3A = arith.divsi %get3A_0, %jit3A : i32
    %sign3A = arith.constant 0 : i32
    %sign3A_1 = arith.cmpi sgt, %get3A_0, %sign3A : i32
    %sign3A_2 = arith.extui %sign3A_1 : i1 to i32
    %sign3A_3 = arith.constant 0 : i32
    %sign3A_4 = arith.cmpi slt, %get3A_0, %sign3A_3 : i32
    %sign3A_5 = arith.extui %sign3A_4 : i1 to i32
    %sign3A_6 = arith.subi %sign3A_2, %sign3A_5 : i32
    %sign3A_7 = arith.constant 0 : i32
    %sign3A_8 = arith.cmpi sgt, %jit3A, %sign3A_7 : i32
    %sign3A_9 = arith.extui %sign3A_8 : i1 to i32
    %sign3A_10 = arith.constant 0 : i32
    %sign3A_11 = arith.cmpi slt, %jit3A, %sign3A_10 : i32
    %sign3A_12 = arith.extui %sign3A_11 : i1 to i32
    %sign3A_13 = arith.subi %sign3A_9, %sign3A_12 : i32
    %ne3A = arith.cmpi ne, %sign3A_6, %sign3A_13 : i32
    %rem3A = arith.remsi %get3A_0, %jit3A : i32
    %ne3A_14 = arith.constant 0 : i32
    %ne3A_15 = arith.cmpi ne, %rem3A, %ne3A_14 : i32
    %and3A = arith.andi %ne3A, %ne3A_15 : i1
    %sub3A = arith.constant 1 : i32
    %sub3A_16 = arith.subi %div3A, %sub3A : i32
    %select_n3A = arith.select %and3A, %sub3A_16, %div3A : i32
    %c0_i32 = arith.constant 0 : i32
    %c0_i32_17 = arith.constant 0 : i32
    return %c0_i32, %select_n3A : i32, i32
  }
  func.func @transform_19(%arg0: i32, %arg1: memref<1xi32, #tpu.memory_space<smem>>) -> (i32, i32) {
    %c0_i32 = arith.constant 0 : i32
    %c0_i32_0 = arith.constant 0 : i32
    %c0_i32_1 = arith.constant 0 : i32
    return %c0_i32, %c0_i32_0 : i32, i32
  }
  func.func @transform_20(%arg0: i32, %arg1: memref<1xi32, #tpu.memory_space<smem>>) -> (i32, i32) {
    %get3A = arith.constant 0 : index
    %get3A_0 = memref.load %arg1[%get3A] : memref<1xi32, #tpu.memory_space<smem>>
    %jit3A = arith.constant 128 : i32
    %div3A = arith.divsi %get3A_0, %jit3A : i32
    %sign3A = arith.constant 0 : i32
    %sign3A_1 = arith.cmpi sgt, %get3A_0, %sign3A : i32
    %sign3A_2 = arith.extui %sign3A_1 : i1 to i32
    %sign3A_3 = arith.constant 0 : i32
    %sign3A_4 = arith.cmpi slt, %get3A_0, %sign3A_3 : i32
    %sign3A_5 = arith.extui %sign3A_4 : i1 to i32
    %sign3A_6 = arith.subi %sign3A_2, %sign3A_5 : i32
    %sign3A_7 = arith.constant 0 : i32
    %sign3A_8 = arith.cmpi sgt, %jit3A, %sign3A_7 : i32
    %sign3A_9 = arith.extui %sign3A_8 : i1 to i32
    %sign3A_10 = arith.constant 0 : i32
    %sign3A_11 = arith.cmpi slt, %jit3A, %sign3A_10 : i32
    %sign3A_12 = arith.extui %sign3A_11 : i1 to i32
    %sign3A_13 = arith.subi %sign3A_9, %sign3A_12 : i32
    %ne3A = arith.cmpi ne, %sign3A_6, %sign3A_13 : i32
    %rem3A = arith.remsi %get3A_0, %jit3A : i32
    %ne3A_14 = arith.constant 0 : i32
    %ne3A_15 = arith.cmpi ne, %rem3A, %ne3A_14 : i32
    %and3A = arith.andi %ne3A, %ne3A_15 : i1
    %sub3A = arith.constant 1 : i32
    %sub3A_16 = arith.subi %div3A, %sub3A : i32
    %select_n3A = arith.select %and3A, %sub3A_16, %div3A : i32
    %c0_i32 = arith.constant 0 : i32
    %c0_i32_17 = arith.constant 0 : i32
    return %c0_i32, %select_n3A : i32, i32
  }
  func.func @transform_21(%arg0: i32, %arg1: memref<1xi32, #tpu.memory_space<smem>>) -> (i32, i32) {
    %get3A = arith.constant 0 : index
    %get3A_0 = memref.load %arg1[%get3A] : memref<1xi32, #tpu.memory_space<smem>>
    %jit3A = arith.constant 128 : i32
    %div3A = arith.divsi %get3A_0, %jit3A : i32
    %sign3A = arith.constant 0 : i32
    %sign3A_1 = arith.cmpi sgt, %get3A_0, %sign3A : i32
    %sign3A_2 = arith.extui %sign3A_1 : i1 to i32
    %sign3A_3 = arith.constant 0 : i32
    %sign3A_4 = arith.cmpi slt, %get3A_0, %sign3A_3 : i32
    %sign3A_5 = arith.extui %sign3A_4 : i1 to i32
    %sign3A_6 = arith.subi %sign3A_2, %sign3A_5 : i32
    %sign3A_7 = arith.constant 0 : i32
    %sign3A_8 = arith.cmpi sgt, %jit3A, %sign3A_7 : i32
    %sign3A_9 = arith.extui %sign3A_8 : i1 to i32
    %sign3A_10 = arith.constant 0 : i32
    %sign3A_11 = arith.cmpi slt, %jit3A, %sign3A_10 : i32
    %sign3A_12 = arith.extui %sign3A_11 : i1 to i32
    %sign3A_13 = arith.subi %sign3A_9, %sign3A_12 : i32
    %ne3A = arith.cmpi ne, %sign3A_6, %sign3A_13 : i32
    %rem3A = arith.remsi %get3A_0, %jit3A : i32
    %ne3A_14 = arith.constant 0 : i32
    %ne3A_15 = arith.cmpi ne, %rem3A, %ne3A_14 : i32
    %and3A = arith.andi %ne3A, %ne3A_15 : i1
    %sub3A = arith.constant 1 : i32
    %sub3A_16 = arith.subi %div3A, %sub3A : i32
    %select_n3A = arith.select %and3A, %sub3A_16, %div3A : i32
    %c0_i32 = arith.constant 0 : i32
    %c0_i32_17 = arith.constant 0 : i32
    return %c0_i32, %select_n3A : i32, i32
  }
}

</mosaic_0001>

<sc_bundles>
// kernel: kernel.5.cloned.1.call-start
scs
__scs_entry_jumppad:
0x0: {  	(pc) =	sbr.rel $0x88, $3  }
0x1: {  	(tag) =	ssettag $0x0;
	lr =	simm.s32 $0x1  }
0x2: {  	[smem:$0x3F9C] =	sst lr;
	_ =	strace $0xD0000000  }
0x3: {  	_ = 	snop  }
0x4: {  	_ = 	snop  }
0x5: {  	_ = 	snop  }
0x6: {  	_ = 	snop  }
0x7: {  	_ = 	snop  }
__scs_overlays_trampoline_lowered:
0x8: {  	[smem:$0x3FAB] =	sst s0  }
0x9: {  	[smem:$0x3FAC] =	sst s1  }
0xa: {  	[smem:$0x3FAD] =	sst s2  }
0xb: {  	[smem:$0x3FAE] =	sst s3  }
0xc: {  	[smem:$0x3FAF] =	sst s4  }
0xd: {  	[smem:$0x3FB0] =	sst s5  }
0xe: {  	[smem:$0x3FB1] =	sst s6  }
0xf: {  	[smem:$0x3FB2] =	sst s7  }
0x10: {  	[smem:$0x3FB3] =	sst s8  }
0x11: {  	[smem:$0x3FB4] =	sst s9;
	s0 =	simm.s32 @!p0 $0x0  }
0x12: {  	s1 =	sld [smem:$0x3F9A];
	s0 =	simm.s32 @p0 $0x1  }
0x13: {  	[smem:$0x3FB5] =	sst s0;
	s0 =	simm.s32 @!p1 $0x0  }
0x14: {  	s2 =	sld [smem:$0x3F99];
	s0 =	simm.s32 @p1 $0x1  }
0x15: {  	[smem:$0x3FB6] =	sst s0;
	s0 =	simm.s32 @!p2 $0x0  }
0x16: {  	s3 =	sld [smem:$0x3FDB];
	s0 =	simm.s32 @p2 $0x1  }
0x17: {  	s4 =	simm.s32 $0x1BF5;
	[smem:$0x3FB8] =	sst s0  }
0x18: {  	s0 =	sld [smem:$0x3F9B];
	_ =	swait.ge [sflag:s4], $0x0  }
0x19: {  	s7 =	sld [smem:$0x3F9C]  }
0x1a: {  	s8 =	sadd.s32 $0xFFFFE003, lr  }
0x1b: {  	s9 =	sadd.s32 $0xFFFFFEF7, lr;
	s5 =	simm.s32 $0xFFFFFFFF;
	p2 =	slt.u32 s8, $0xFFFFF086  }
0x1c: {  	p1 =	slt.u32 s9, $0xF7A;
	s5 =	simm.s32 @!p2 $0x0  }
0x1d: {  	s5 =	simm.s32 @p1 $0x1;
	p0 =	seq.s32 s7, s2  }
0x1e: {  	s7 =	smul.u32 @!p0 $0xF7A, s2;
	p2 =	seq.s32 @!p0 s5, $0x0  }
0x1f: {  	s9 =	smul.u32 $0xF7A, s1;
	s8 =	simm.s32 @!p0 $0x1BF5;
	p2 =	por !p2, p0  }
0x20: {  	[sflag:s8] =	ssyncset.s32 @!p0 $0xFFFFF086;
	s6 =	sadd.s32 @!p0 s3, s7;
	s7 =	simm.s32 @!p0 $0x108  }
0x21: {  	s3 =	sadd.s32 s3, s9;
	s6 =	sadd.s32 @!p0 $0x88, s6;
	s7 =	simm.s32 @p2 $0x1082  }
0x22: {  	[simem:s7], [sflag:s8] =	dma.local @!p0 [hbm:s6], $0xF7A  }
0x23: {  	s9 =	sor.u32 $0xD0000000, s2;
	s6 =	simm.s32 $0x108;
	_ =	swait.ge @!p0 [sflag:s8], $0x0  }
0x24: {  	s3 =	sadd.s32 $0x88, s3;
	s6 =	simm.s32 @!p1 $0x1082;
	[sflag:s4] =	ssyncset.s32 $0xFFFFF086  }
0x25: {  	[simem:s6], [sflag:s4] =	dma.local [hbm:s3], $0xF7A  }
0x26: {  	[smem:$0x3F9C] =	sst s1;
	(tag) =	ssettag s2;
	_ =	strace s9  }
0x27: {  	s1 =	sld [smem:$0x3FAC]  }
0x28: {  	s2 =	sld [smem:$0x3FAD]  }
0x29: {  	s4 =	sld [smem:$0x3FAF]  }
0x2a: {  	p0 =	seq.s32 s5, $0x0;
	s5 =	sld [smem:$0x3FB0]  }
0x2b: {  	s6 =	sld [smem:$0x3FB1]  }
0x2c: {  	s7 =	sld [smem:$0x3FB2]  }
0x2d: {  	s3 =	simm.s32 $0x108;
	s8 =	sld [smem:$0x3FB3]  }
0x2e: {  	s3 =	simm.s32 @!p0 $0x1082;
	s9 =	sld [smem:$0x3FB4]  }
0x2f: {  	lr =	sadd.s32 s0, s3;
	s0 =	sld [smem:$0x3FAB]  }
0x30: {  	s3 =	sld [smem:$0x3FAE]  }
0x31: {  	[smem:$0x3FB7] =	sst s10  }
0x32: {  	s10 =	sld [smem:$0x3FB5];
	_ =	sdelay $0x3  }
0x33: {  	p0 =	seq.s32 s10, $0x1;
	s10 =	sld [smem:$0x3FB7];
	_ =	sdelay $0x3  }
0x34: {  	[smem:$0x3FB7] =	sst s10  }
0x35: {  	s10 =	sld [smem:$0x3FB6];
	_ =	sdelay $0x3  }
0x36: {  	p1 =	seq.s32 s10, $0x1;
	s10 =	sld [smem:$0x3FB7];
	_ =	sdelay $0x3  }
0x37: {  	[smem:$0x3FB7] =	sst s10  }
0x38: {  	s10 =	sld [smem:$0x3FB8]  }
0x39: {  	_ = 	snop;
	(pc) =	sbr.ind lr, $3  }
0x3a: {  	_ = 	snop  }
0x3b: {  	_ = 	snop  }
0x3c: {  	p2 =	seq.s32 s10, $0x1;
	s10 =	sld [smem:$0x3FB7]  }
0x3d: {  	_ =	shalt  }
0x3e: {  	_ =	shalt  }
0x3f: {  	_ =	shalt  }
0x40: {  	_ =	shalt  }
0x41: {  	_ =	shalt  }
0x42: {  	_ =	shalt  }
0x43: {  	_ =	shalt  }
0x44: {  	_ =	shalt  }
0x45: {  	_ =	shalt  }
0x46: {  	_ =	shalt  }
0x47: {  	_ =	shalt  }
0x48: {  	_ =	shalt  }
0x49: {  	_ =	shalt  }
0x4a: {  	_ =	shalt  }
0x4b: {  	_ =	shalt  }
0x4c: {  	_ =	shalt  }
0x4d: {  	_ =	shalt  }
0x4e: {  	_ =	shalt  }
0x4f: {  	_ =	shalt  }
0x50: {  	_ =	shalt  }
0x51: {  	_ =	shalt  }
0x52: {  	_ =	shalt  }
0x53: {  	_ =	shalt  }
0x54: {  	_ =	shalt  }
0x55: {  	_ =	shalt  }
0x56: {  	_ =	shalt  }
0x57: {  	_ =	shalt  }
0x58: {  	_ =	shalt  }
0x59: {  	_ =	shalt  }
0x5a: {  	_ =	shalt  }
0x5b: {  	_ =	shalt  }
0x5c: {  	_ =	shalt  }
0x5d: {  	_ =	shalt  }
0x5e: {  	_ =	shalt  }
0x5f: {  	_ =	shalt  }
0x60: {  	_ =	shalt  }
0x61: {  	_ =	shalt  }
0x62: {  	_ =	shalt  }
0x63: {  	_ =	shalt  }
0x64: {  	_ =	shalt  }
0x65: {  	_ =	shalt  }
0x66: {  	_ =	shalt  }
0x67: {  	_ =	shalt  }
0x68: {  	_ =	shalt  }
0x69: {  	_ =	shalt  }
0x6a: {  	_ =	shalt  }
0x6b: {  	_ =	shalt  }
0x6c: {  	_ =	shalt  }
0x6d: {  	_ =	shalt  }
0x6e: {  	_ =	shalt  }
0x6f: {  	_ =	shalt  }
0x70: {  	_ =	shalt  }
0x71: {  	_ =	shalt  }
0x72: {  	_ =	shalt  }
0x73: {  	_ =	shalt  }
0x74: {  	_ =	shalt  }
0x75: {  	_ =	shalt  }
0x76: {  	_ =	shalt  }
0x77: {  	_ =	shalt  }
0x78: {  	_ =	shalt  }
0x79: {  	_ =	shalt  }
0x7a: {  	_ =	shalt  }
0x7b: {  	_ =	shalt  }
0x7c: {  	_ =	shalt  }
0x7d: {  	_ =	shalt  }
0x7e: {  	_ =	shalt  }
0x7f: {  	_ =	shalt  }
0x80: {  	_ =	shalt  }
0x81: {  	_ =	shalt  }
0x82: {  	_ =	shalt  }
0x83: {  	_ =	shalt  }
0x84: {  	_ =	shalt  }
0x85: {  	_ =	shalt  }
0x86: {  	_ =	shalt  }
0x87: {  	_ =	shalt  }
.Lfunc_end0:
.L_simem_size_0:
called_computation_lowered:
.L_overlay_start_0:
0x88: {  	s2 =	sld [smem:$0x3FD9]  }
0x89: {  	s3 =	sld [smem:$0x3FFE];
	_ =	sdelay $0x1  }
0x8a: {  	s1 =	srdreg.scid  }
0x8b: {  	s0 =	sand.u32 $0x1, s1  }
0x8c: {  	s17 =	sshll.u32 s0, $0xA;
	s2 =	sadd.s32 s3, s2  }
0x8d: {  	s2 =	sadd.s32 s2, s17  }
0x8e: {  	[smem:$0x3FC3] =	sst s2  }
0x8f: {  	_ = 	snop  }
0x90: {  	s2 =	sld [smem:$0x3FC6];
	(tm) =	ssettm $0x1  }
0x91: {  	s18 =	sld [smem:$0x3FFB];
	_ =	sdelay $0x3  }
0x92: {  	_ =	strace s18  }
0x93: {  	s3 =	sld [smem:$0x3FFC];
	_ =	sdelay $0x3  }
0x94: {  	_ =	strace s3  }
0x95: {  	s3 =	sld [smem:$0x3FFD];
	_ =	sdelay $0x3  }
0x96: {  	_ =	strace s3  }
0x97: {  	_ =	strace $0x8FFFFFFF  }
0x98: {  	s19 =	sld [smem:$0x3FDB];
	_ =	sdelay $0x1  }
0x99: {  	s4 =	simm.s32 $_scs_section_size  }
0x9a: {  	s5 =	simm.s32 $_size__tile_overlayer_lowered;
	s6 =	simm.s32 $_tile_overlayer_lowered  }
0x9b: {  	s22 =	simm.s32 $0x1BFF;
	s21 =	sshll.u32 s6, $0x1;
	s3 =	sadd.s32 s4, s19  }
0x9c: {  	s7 =	simm.s32 $0x0;
	s20 =	sshll.u32 s5, $0x1;
	s5 =	sadd.s32 s21, s3  }
0x9d: {  	[timem:s7], [sflag:s22] =	dma.local [hbm:s5], s20  }
0x9e: {  	_ =	swait.ge [sflag:s22], s20  }
0x9f: {  	s4 =	ssub.s32 $0x0, s20;
	[sflag:s22] =	ssyncset.done $0x0  }
0xa0: {  	[sflag:s22] =	ssyncadd.s32 s4;
	_ =	sdelay $0x1  }
0xa1: {  	s23 =	simm.s32 $0x1B8B  }
0xa2: {  	_ =	swait.ge [sflag:s23], $0x1  }
0xa3: {  	[sflag:s23] =	ssyncset.done $0x0  }
0xa4: {  	s25 =	simm.s32 $0x1B8E;
	s24 =	sld [smem:$0x3FFE];
	[sflag:s23] =	ssyncadd.s32 $0xFFFFFFFF  }
0xa5: {  	s26 =	simm.s32 $execute0_lowered;
	[smem:$0x3FD2] =	sst s25  }
0xa6: {  	s5 =	sshll.u32 s26, $0x1;
	_ =	strace $0x80000046;
	[dreg:$0x1] =	wrdreg $0xFFFFFFFF  }
0xa7: {  	s28 =	simm.s32 $_size_execute0_lowered;
	s3 =	sadd.s32 s3, s5;
	[dreg:$0x0] =	wrdreg $0x0  }
0xa8: {  	s5 =	sshll.u32 s28, $0x1;
	[dreg:$0x2] =	wrdreg s3  }
0xa9: {  	[dreg:$0x3] =	wrdreg s5  }
0xaa: {  	[dreg:$0x4] =	wrdreg $0xC0  }
0xab: {  	_ =	task [dreg:s7], $0x5FFFF  }
0xac: {  	[dreg:$0x1] =	wrdreg $0xFFFFFFFF  }
0xad: {  	[dreg:$0x0] =	wrdreg $0x60  }
0xae: {  	[dreg:$0x2] =	wrdreg s24  }
0xaf: {  	[dreg:$0x3] =	wrdreg s2  }
0xb0: {  	[dreg:$0x4] =	wrdreg $0x9  }
0xb1: {  	_ =	task.clear_ibuf [dreg:s7], $0x5FFFF;
	_ =	strace $0x90000046  }
0xb2: {  	s29 =	simm.s32 $0x9;
	_ =	strace $0x80000048  }
0xb3: {  	_ =	swait.ge [sflag:s29], $0x1  }
0xb4: {  	[sflag:s29] =	ssyncadd.s32 $0xFFFFFFFF  }
0xb5: {  	_ =	strace $0x90000048  }
0xb6: {  	_ =	sfence  }
0xb7: {  	s30 =	sld [smem:$0x0];
	_ =	sdelay $0x2  }
0xb8: {  	s31 =	sshll.u32 s1, $0xD;
	s1 =	sshrl.u32 s1, $0x2  }
0xb9: {  	s3 =	sand.u32 $0x4000, s31;
	s1 =	sadd.s32 s1, s30  }
0xba: {  	s0 =	sor.u32 s3, s0;
	s1 =	sshll.u32 s1, $0x11  }
0xbb: {  	s0 =	sor.u32 s1, s0  }
0xbc: {  	s0 =	sadd.s32 $0x8F2B, s0  }
0xbd: {  	[sflag:s0] =	ssyncadd.remote.s32 $0x1  }
0xbe: {  	_ =	sfence.sel $0xFFFF  }
0xbf: {  	[dreg:$0x0] =	wrdreg $0xFFFFFFFF;
	(pc) =	sbr.abs _section_cstart, $3  }
0xc0: {  	[dreg:$0x1] =	wrdreg $0xFFFFFFFF  }
0xc1: {  	_ =	task.clear_ibuf [dreg:s7], $0x2FFFF;
	_ =	strace $0x9FFFFFFF  }
0xc2: {  	(tm) =	ssettm $0x7FFFFFFF  }
0xc3: {  	_ =	shalt  }
tec
execute0_lowered:
.L_overlay_start_1:
0x0: {  	(tag) =	ssettag $0x1  }
0x1: {  	s0 =	rddreg [dreg:$0x0]  }
0x2: {  	s2 =	rddreg [dreg:$0x1];
	s1 =	simm.s32 $0x0  }
0x3: {  	[smem:$0x7FF] =	sst s1;
	s3 =	sadd.s32 $0x154600, s0  }
0x4: {  	s19 =	sadd.s32 $0x173000, s0;
	_ =	strace $0x80000047;
	[dreg:$0x3] =	wrdreg s3  }
0x5: {  	s20 =	sadd.s32 $0x191A00, s0;
	[dreg:$0x4] =	wrdreg s19  }
0x6: {  	s21 =	sadd.s32 $0x1B0400, s0;
	[dreg:$0x5] =	wrdreg s20  }
0x7: {  	s22 =	sadd.s32 $0x1CEE00, s0;
	[dreg:$0x6] =	wrdreg s21  }
0x8: {  	s23 =	sadd.s32 $0x3800, s0;
	[dreg:$0x7] =	wrdreg s22  }
0x9: {  	s24 =	sadd.s32 $0x22200, s0;
	[dreg:$0x8] =	wrdreg s23  }
0xa: {  	s25 =	sadd.s32 $0x40C00, s0;
	[dreg:$0x9] =	wrdreg s24  }
0xb: {  	s26 =	sadd.s32 $0x5F600, s0;
	[dreg:$0xa] =	wrdreg s25  }
0xc: {  	s4 =	sadd.s32 $0x7E000, s0;
	[dreg:$0xb] =	wrdreg s26  }
0xd: {  	s5 =	sadd.s32 $0x9CA00, s0;
	[dreg:$0xc] =	wrdreg s4  }
0xe: {  	s30 =	simm.s32 $0x200;
	s6 =	sadd.s32 $0xBB400, s0;
	[dreg:$0xd] =	wrdreg s5  }
0xf: {  	s29 =	simm.s32 $0x400;
	s7 =	sadd.s32 $0xD9E00, s0;
	[dreg:$0xe] =	wrdreg s6  }
0x10: {  	s28 =	simm.s32 $0x600;
	s8 =	sadd.s32 $0xF8800, s0;
	[dreg:$0xf] =	wrdreg s7  }
0x11: {  	p0 =	por $0x0, $0x0;
	s10 =	sadd.s32 $0x117200, s0;
	[dreg:$0x10] =	wrdreg s8  }
0x12: {  	s11 =	sadd.s32 $0x135C00, s0;
	s4 =	srdreg.scid;
	[dreg:$0x11] =	wrdreg s10  }
0x13: {  	s31 =	simm.s32 $0x1;
	s5 =	stileid.u32;
	[dreg:$0x12] =	wrdreg s11  }
0x14: {  	s26 =	simm.s32 $0x800;
	s25 =	simm.s32 $0xA00;
	s24 =	simm.s32 $0xC00  }
0x15: {  	s23 =	simm.s32 $0xE00;
	s22 =	simm.s32 $0x1000;
	s9 =	sand.u32 $0x1, s4  }
0x16: {  	s21 =	simm.s32 $0x1200;
	s5 =	sshll.u32 s5, $0x7;
	s6 =	sshll.u32 s9, $0x6  }
0x17: {  	s20 =	simm.s32 $0x1400;
	s3 =	ssub.s32 $0x2, s9;
	s5 =	sor.u32 s6, s5  }
0x18: {  	s15 =	sshrl.u32 s3, $0x1;
	s0 =	sadd.s32 s5, s0;
	s2 =	sadd.s32 s2, s5  }
0x19: {  	s3 =	ssub.s32 s3, s15;
	s12 =	sadd.s32 $0x1ED800, s0;
	s14 =	sadd.s32 $0x1EE800, s0  }
0x1a: {  	s13 =	sadd.s32 $0x1EE000, s0;
	s16 =	sadd.s32 $0x1EF000, s0;
	s17 =	sadd.s32 $0x1EF800, s0  }
0x1b: {  	[dreg:$0x13] =	wrdreg s2;
	s15 =	sadd.s32 $0x1F0800, s0;
	s11 =	sadd.s32 $0x1F1800, s0  }
0x1c: {  	s18 =	sadd.s32 $0x1F0000, s0;
	s10 =	sadd.s32 $0x1F2000, s0;
	s9 =	sadd.s32 $0x1F2800, s0  }
0x1d: {  	s7 =	sadd.s32 $0x1F3800, s0;
	s8 =	sadd.s32 $0x1F3000, s0;
	[dreg:$0x14] =	wrdreg s12  }
0x1e: {  	s6 =	sadd.s32 $0x1F4000, s0;
	s19 =	smax.u32 s3, $0x1;
	[dreg:$0x15] =	wrdreg s13  }
0x1f: {  	s5 =	sadd.s32 $0x1F4800, s0;
	[dreg:$0x16] =	wrdreg s14;
	p1 =	sne.s32 s19, $0x1  }
.Ltmp0:
0x20: {  	s4 =	sadd.s32 $0x1F5000, s0;
	[dreg:$0x17] =	wrdreg s16;
	(pc) =	sbr.rel @!p1 .LBB2_3-.Ltmp0, $4  }
0x21: {  	s3 =	simm.s32 $0x2;
	[dreg:$0x18] =	wrdreg s17;
	s13 =	sadd.s32 $0x1F1000, s0  }
0x22: {  	[dreg:$0x19] =	wrdreg s18;
	s18 =	simm.s32 $0x1600;
	s0 =	sadd.s32 $0xFFFFFFFF, s19  }
0x23: {  	s19 =	simm.s32 $0x1800;
	s17 =	simm.s32 $0x1A00;
	s16 =	simm.s32 $0x1C00  }
0x24: {  	s14 =	simm.s32 $0x1E00;
	s12 =	simm.s32 $0x2000;
	s2 =	rddreg [dreg:$0x13]  }
0x25: {  	[tilespmem:s1], [sflag:$0x2] =	stream.linear.gather [hbm4b:s2+s1], $0x200, $0x38;
	[tilespmem:$0x2200] =	vst v63  }
0x26: {  	_ =	swait.ge [sflag:s3], $0x200  }
0x27: {  	[dreg:$0x1a] =	wrdreg s0;
	[sflag:s3] =	ssyncset.done $0x0  }
0x28: {  	s2 =	rddreg [dreg:$0x3];
	[sflag:s3] =	ssyncadd.s32 $0xFFFFFE00  }
0x29: {  	[tilespmem:s30], [sflag:$0x1] =	stream.indirect.gather [hbm4b:s2+s30], $0x1, s1, s30, $0xb8;
	[tilespmem:$0x2200] =	vst v63  }
0x2a: {  	s0 =	rddreg [dreg:$0x4]  }
0x2b: {  	[tilespmem:s29], [sflag:$0x1] =	stream.indirect.gather [hbm4b:s0+s30], $0x1, s1, s30, $0xb8;
	[tilespmem:$0x2200] =	vst v63  }
0x2c: {  	s2 =	rddreg [dreg:$0x5]  }
0x2d: {  	[tilespmem:s28], [sflag:$0x1] =	stream.indirect.gather [hbm4b:s2+s30], $0x1, s1, s30, $0xb8;
	[tilespmem:$0x2200] =	vst v63  }
0x2e: {  	s0 =	rddreg [dreg:$0x6]  }
0x2f: {  	[tilespmem:s26], [sflag:$0x1] =	stream.indirect.gather [hbm4b:s0+s30], $0x1, s1, s30, $0xb8;
	[tilespmem:$0x2200] =	vst v63  }
0x30: {  	s2 =	rddreg [dreg:$0x7]  }
0x31: {  	[tilespmem:s25], [sflag:$0x1] =	stream.indirect.gather [hbm4b:s2+s30], $0x1, s1, s30, $0xb8;
	[tilespmem:$0x2200] =	vst v63  }
0x32: {  	s0 =	rddreg [dreg:$0x8]  }
0x33: {  	[tilespmem:s24], [sflag:$0x1] =	stream.indirect.gather [hbm4b:s0+s30], $0x1, s1, s30, $0xb8;
	[tilespmem:$0x2200] =	vst v63  }
0x34: {  	s2 =	rddreg [dreg:$0x9]  }
0x35: {  	[tilespmem:s23], [sflag:$0x1] =	stream.indirect.gather [hbm4b:s2+s30], $0x1, s1, s30, $0xb8;
	[tilespmem:$0x2200] =	vst v63  }
0x36: {  	s0 =	rddreg [dreg:$0xa]  }
0x37: {  	[tilespmem:s22], [sflag:$0x1] =	stream.indirect.gather [hbm4b:s0+s30], $0x1, s1, s30, $0xb8;
	[tilespmem:$0x2200] =	vst v63  }
0x38: {  	s2 =	rddreg [dreg:$0xb]  }
0x39: {  	[tilespmem:s21], [sflag:$0x1] =	stream.indirect.gather [hbm4b:s2+s30], $0x1, s1, s30, $0xb8;
	[tilespmem:$0x2200] =	vst v63  }
0x3a: {  	s0 =	rddreg [dreg:$0xc]  }
0x3b: {  	[tilespmem:s20], [sflag:$0x1] =	stream.indirect.gather [hbm4b:s0+s30], $0x1, s1, s30, $0xb8;
	[tilespmem:$0x2200] =	vst v63  }
0x3c: {  	s2 =	rddreg [dreg:$0xd]  }
0x3d: {  	[tilespmem:s18], [sflag:$0x1] =	stream.indirect.gather [hbm4b:s2+s30], $0x1, s1, s30, $0xb8;
	[tilespmem:$0x2200] =	vst v63  }
0x3e: {  	s0 =	rddreg [dreg:$0xe]  }
0x3f: {  	[tilespmem:s19], [sflag:$0x1] =	stream.indirect.gather [hbm4b:s0+s30], $0x1, s1, s30, $0xb8;
	[tilespmem:$0x2200] =	vst v63  }
0x40: {  	s2 =	rddreg [dreg:$0xf]  }
0x41: {  	[tilespmem:s17], [sflag:$0x1] =	stream.indirect.gather [hbm4b:s2+s30], $0x1, s1, s30, $0xb8;
	[tilespmem:$0x2200] =	vst v63  }
0x42: {  	s0 =	rddreg [dreg:$0x10]  }
0x43: {  	[tilespmem:s16], [sflag:$0x1] =	stream.indirect.gather [hbm4b:s0+s30], $0x1, s1, s30, $0xb8;
	[tilespmem:$0x2200] =	vst v63  }
0x44: {  	s2 =	rddreg [dreg:$0x11]  }
0x45: {  	[tilespmem:s14], [sflag:$0x1] =	stream.indirect.gather [hbm4b:s2+s30], $0x1, s1, s30, $0xb8;
	[tilespmem:$0x2200] =	vst v63  }
0x46: {  	s0 =	rddreg [dreg:$0x12]  }
0x47: {  	[tilespmem:s12], [sflag:$0x1] =	stream.indirect.gather [hbm4b:s0+s30], $0x1, s1, s30, $0xb8;
	[tilespmem:$0x2200] =	vst v63  }
0x48: {  	_ =	swait.ge [sflag:s31], $0x200  }
0x49: {  	[sflag:s31] =	ssyncset.done $0x0  }
0x4a: {  	[sflag:s31] =	ssyncadd.s32 $0xFFFFFE00  }
0x4b: {  	_ =	swait.ge [sflag:s31], $0x200  }
0x4c: {  	[sflag:s31] =	ssyncset.done $0x0  }
0x4d: {  	[sflag:s31] =	ssyncadd.s32 $0xFFFFFE00  }
0x4e: {  	_ =	swait.ge [sflag:s31], $0x200  }
0x4f: {  	[sflag:s31] =	ssyncset.done $0x0  }
0x50: {  	[sflag:s31] =	ssyncadd.s32 $0xFFFFFE00  }
0x51: {  	_ =	swait.ge [sflag:s31], $0x200  }
0x52: {  	[sflag:s31] =	ssyncset.done $0x0  }
0x53: {  	[sflag:s31] =	ssyncadd.s32 $0xFFFFFE00  }
0x54: {  	_ =	swait.ge [sflag:s31], $0x200  }
0x55: {  	[sflag:s31] =	ssyncset.done $0x0  }
0x56: {  	[sflag:s31] =	ssyncadd.s32 $0xFFFFFE00  }
0x57: {  	_ =	swait.ge [sflag:s31], $0x200  }
0x58: {  	[sflag:s31] =	ssyncset.done $0x0  }
0x59: {  	[sflag:s31] =	ssyncadd.s32 $0xFFFFFE00  }
0x5a: {  	_ =	swait.ge [sflag:s31], $0x200  }
0x5b: {  	[sflag:s31] =	ssyncset.done $0x0  }
0x5c: {  	[sflag:s31] =	ssyncadd.s32 $0xFFFFFE00  }
0x5d: {  	_ =	swait.ge [sflag:s31], $0x200  }
0x5e: {  	[sflag:s31] =	ssyncset.done $0x0  }
0x5f: {  	[sflag:s31] =	ssyncadd.s32 $0xFFFFFE00  }
0x60: {  	_ =	swait.ge [sflag:s31], $0x200  }
0x61: {  	[sflag:s31] =	ssyncset.done $0x0  }
0x62: {  	[sflag:s31] =	ssyncadd.s32 $0xFFFFFE00  }
0x63: {  	_ =	swait.ge [sflag:s31], $0x200  }
0x64: {  	[sflag:s31] =	ssyncset.done $0x0  }
0x65: {  	[sflag:s31] =	ssyncadd.s32 $0xFFFFFE00  }
0x66: {  	_ =	swait.ge [sflag:s31], $0x200  }
0x67: {  	[sflag:s31] =	ssyncset.done $0x0  }
0x68: {  	[sflag:s31] =	ssyncadd.s32 $0xFFFFFE00  }
0x69: {  	_ =	swait.ge [sflag:s31], $0x200  }
0x6a: {  	[sflag:s31] =	ssyncset.done $0x0  }
0x6b: {  	[sflag:s31] =	ssyncadd.s32 $0xFFFFFE00  }
0x6c: {  	_ =	swait.ge [sflag:s31], $0x200  }
0x6d: {  	[sflag:s31] =	ssyncset.done $0x0  }
0x6e: {  	[sflag:s31] =	ssyncadd.s32 $0xFFFFFE00  }
0x6f: {  	_ =	swait.ge [sflag:s31], $0x200  }
0x70: {  	[sflag:s31] =	ssyncset.done $0x0  }
0x71: {  	[sflag:s31] =	ssyncadd.s32 $0xFFFFFE00  }
0x72: {  	_ =	swait.ge [sflag:s31], $0x200  }
0x73: {  	[sflag:s31] =	ssyncset.done $0x0  }
0x74: {  	[sflag:s31] =	ssyncadd.s32 $0xFFFFFE00  }
0x75: {  	_ =	swait.ge [sflag:s31], $0x200  }
0x76: {  	[sflag:s31] =	ssyncset.done $0x0  }
0x77: {  	s2 =	rddreg [dreg:$0x14];
	[sflag:s31] =	ssyncadd.s32 $0xFFFFFE00  }
0x78: {  	[hbm4b:s2+s1] =	stream.linear.scatter [tilespmem:s30], [sflag:$0x2], $0x200, $0x38;
	[tilespmem:$0x2200] =	vst v63  }
0x79: {  	_ =	swait.ge [sflag:s3], $0x200  }
0x7a: {  	[sflag:s3] =	ssyncset.done $0x0  }
0x7b: {  	s2 =	rddreg [dreg:$0x15];
	[sflag:s3] =	ssyncadd.s32 $0xFFFFFE00  }
0x7c: {  	[hbm4b:s2+s1] =	stream.linear.scatter [tilespmem:s29], [sflag:$0x2], $0x200, $0x38;
	[tilespmem:$0x2200] =	vst v63  }
0x7d: {  	_ =	swait.ge [sflag:s3], $0x200  }
0x7e: {  	[sflag:s3] =	ssyncset.done $0x0  }
0x7f: {  	s2 =	rddreg [dreg:$0x16];
	[sflag:s3] =	ssyncadd.s32 $0xFFFFFE00  }
0x80: {  	[hbm4b:s2+s1] =	stream.linear.scatter [tilespmem:s28], [sflag:$0x2], $0x200, $0x38;
	[tilespmem:$0x2200] =	vst v63  }
0x81: {  	_ =	swait.ge [sflag:s3], $0x200  }
0x82: {  	[sflag:s3] =	ssyncset.done $0x0  }
0x83: {  	s2 =	rddreg [dreg:$0x17];
	[sflag:s3] =	ssyncadd.s32 $0xFFFFFE00  }
0x84: {  	[hbm4b:s2+s1] =	stream.linear.scatter [tilespmem:s26], [sflag:$0x2], $0x200, $0x38;
	[tilespmem:$0x2200] =	vst v63  }
0x85: {  	_ =	swait.ge [sflag:s3], $0x200  }
0x86: {  	[sflag:s3] =	ssyncset.done $0x0  }
0x87: {  	s2 =	rddreg [dreg:$0x18];
	[sflag:s3] =	ssyncadd.s32 $0xFFFFFE00  }
0x88: {  	[hbm4b:s2+s1] =	stream.linear.scatter [tilespmem:s25], [sflag:$0x2], $0x200, $0x38;
	[tilespmem:$0x2200] =	vst v63  }
0x89: {  	_ =	swait.ge [sflag:s3], $0x200  }
0x8a: {  	[sflag:s3] =	ssyncset.done $0x0  }
0x8b: {  	s2 =	rddreg [dreg:$0x19];
	[sflag:s3] =	ssyncadd.s32 $0xFFFFFE00  }
0x8c: {  	[hbm4b:s2+s1] =	stream.linear.scatter [tilespmem:s24], [sflag:$0x2], $0x200, $0x38;
	[tilespmem:$0x2200] =	vst v63  }
0x8d: {  	_ =	swait.ge [sflag:s3], $0x200  }
0x8e: {  	[sflag:s3] =	ssyncset.done $0x0  }
0x8f: {  	[sflag:s3] =	ssyncadd.s32 $0xFFFFFE00  }
0x90: {  	[hbm4b:s15+s1] =	stream.linear.scatter [tilespmem:s23], [sflag:$0x2], $0x200, $0x38;
	[tilespmem:$0x2200] =	vst v63  }
0x91: {  	_ =	swait.ge [sflag:s3], $0x200  }
0x92: {  	[sflag:s3] =	ssyncset.done $0x0  }
0x93: {  	[sflag:s3] =	ssyncadd.s32 $0xFFFFFE00  }
0x94: {  	[hbm4b:s13+s1] =	stream.linear.scatter [tilespmem:s22], [sflag:$0x2], $0x200, $0x38;
	[tilespmem:$0x2200] =	vst v63  }
0x95: {  	_ =	swait.ge [sflag:s3], $0x200  }
0x96: {  	[sflag:s3] =	ssyncset.done $0x0  }
0x97: {  	[sflag:s3] =	ssyncadd.s32 $0xFFFFFE00  }
0x98: {  	[hbm4b:s11+s1] =	stream.linear.scatter [tilespmem:s21], [sflag:$0x2], $0x200, $0x38;
	[tilespmem:$0x2200] =	vst v63  }
0x99: {  	_ =	swait.ge [sflag:s3], $0x200  }
0x9a: {  	[sflag:s3] =	ssyncset.done $0x0  }
0x9b: {  	[sflag:s3] =	ssyncadd.s32 $0xFFFFFE00  }
0x9c: {  	[hbm4b:s10+s1] =	stream.linear.scatter [tilespmem:s20], [sflag:$0x2], $0x200, $0x38;
	[tilespmem:$0x2200] =	vst v63  }
0x9d: {  	_ =	swait.ge [sflag:s3], $0x200  }
0x9e: {  	[sflag:s3] =	ssyncset.done $0x0  }
0x9f: {  	[sflag:s3] =	ssyncadd.s32 $0xFFFFFE00  }
0xa0: {  	[hbm4b:s9+s1] =	stream.linear.scatter [tilespmem:s18], [sflag:$0x2], $0x200, $0x38;
	[tilespmem:$0x2200] =	vst v63  }
0xa1: {  	_ =	swait.ge [sflag:s3], $0x200  }
0xa2: {  	[sflag:s3] =	ssyncset.done $0x0  }
0xa3: {  	[sflag:s3] =	ssyncadd.s32 $0xFFFFFE00  }
0xa4: {  	[hbm4b:s8+s1] =	stream.linear.scatter [tilespmem:s19], [sflag:$0x2], $0x200, $0x38;
	[tilespmem:$0x2200] =	vst v63  }
0xa5: {  	_ =	swait.ge [sflag:s3], $0x200  }
0xa6: {  	[sflag:s3] =	ssyncset.done $0x0  }
0xa7: {  	[sflag:s3] =	ssyncadd.s32 $0xFFFFFE00  }
0xa8: {  	[hbm4b:s7+s1] =	stream.linear.scatter [tilespmem:s17], [sflag:$0x2], $0x200, $0x38;
	[tilespmem:$0x2200] =	vst v63  }
0xa9: {  	_ =	swait.ge [sflag:s3], $0x200  }
0xaa: {  	[sflag:s3] =	ssyncset.done $0x0  }
0xab: {  	[sflag:s3] =	ssyncadd.s32 $0xFFFFFE00  }
0xac: {  	[hbm4b:s6+s1] =	stream.linear.scatter [tilespmem:s16], [sflag:$0x2], $0x200, $0x38;
	[tilespmem:$0x2200] =	vst v63  }
0xad: {  	_ =	swait.ge [sflag:s3], $0x200  }
0xae: {  	[sflag:s3] =	ssyncset.done $0x0  }
0xaf: {  	[sflag:s3] =	ssyncadd.s32 $0xFFFFFE00  }
0xb0: {  	[hbm4b:s5+s1] =	stream.linear.scatter [tilespmem:s14], [sflag:$0x2], $0x200, $0x38;
	[tilespmem:$0x2200] =	vst v63  }
0xb1: {  	_ =	swait.ge [sflag:s3], $0x200  }
0xb2: {  	s2 =	rddreg [dreg:$0x1a]  }
0xb3: {  	p1 =	sne.s32 s2, $0x1  }
.Ltmp1:
0xb4: {  	[sflag:s3] =	ssyncset.done $0x0;
	(pc) =	sbr.rel @!p1 .LBB2_3-.Ltmp1, $4  }
0xb5: {  	[sflag:s3] =	ssyncadd.s32 $0xFFFFFE00  }
0xb6: {  	[hbm4b:s4+s1] =	stream.linear.scatter [tilespmem:s12], [sflag:$0x2], $0x200, $0x38;
	[tilespmem:$0x2200] =	vst v63  }
0xb7: {  	p0 =	por $0x1, $0x1;
	_ =	swait.ge [sflag:s3], $0x200  }
0xb8: {  	s0 =	sadd.s32 $0xFFFFFFFF, s2;
	s2 =	rddreg [dreg:$0x13];
	[sflag:s3] =	ssyncset.done $0x0  }
.LBB2_2:
0xb9: {  	[sflag:s3] =	ssyncadd.s32 $0xFFFFFE00;
	s12 =	smov.u32 s11  }
0xba: {  	[tilespmem:s1], [sflag:$0x2] =	stream.linear.gather [hbm4b:s2+s1], $0x200, $0x38;
	[tilespmem:$0x2200] =	vst v63  }
0xbb: {  	s11 =	smov.u32 s10;
	s10 =	smov.u32 s9;
	_ =	swait.ge [sflag:s3], $0x200  }
0xbc: {  	s9 =	smov.u32 s8;
	s8 =	smov.u32 s7;
	[sflag:s3] =	ssyncset.done $0x0  }
0xbd: {  	s7 =	smov.u32 s6;
	s2 =	rddreg [dreg:$0x3];
	[sflag:s3] =	ssyncadd.s32 $0xFFFFFE00  }
0xbe: {  	[tilespmem:s30], [sflag:$0x1] =	stream.indirect.gather [hbm4b:s2+s30], $0x1, s1, s30, $0xb8;
	[tilespmem:$0x2200] =	vst v63  }
0xbf: {  	s6 =	smov.u32 s5;
	s5 =	smov.u32 s4;
	s4 =	rddreg [dreg:$0x4]  }
0xc0: {  	[tilespmem:s29], [sflag:$0x1] =	stream.indirect.gather [hbm4b:s4+s30], $0x1, s1, s30, $0xb8;
	[tilespmem:$0x2200] =	vst v63  }
0xc1: {  	s2 =	rddreg [dreg:$0x5]  }
0xc2: {  	[tilespmem:s28], [sflag:$0x1] =	stream.indirect.gather [hbm4b:s2+s30], $0x1, s1, s30, $0xb8;
	[tilespmem:$0x2200] =	vst v63  }
0xc3: {  	s4 =	rddreg [dreg:$0x6]  }
0xc4: {  	[tilespmem:s26], [sflag:$0x1] =	stream.indirect.gather [hbm4b:s4+s30], $0x1, s1, s30, $0xb8;
	[tilespmem:$0x2200] =	vst v63  }
0xc5: {  	s2 =	rddreg [dreg:$0x7]  }
0xc6: {  	[tilespmem:s25], [sflag:$0x1] =	stream.indirect.gather [hbm4b:s2+s30], $0x1, s1, s30, $0xb8;
	[tilespmem:$0x2200] =	vst v63  }
0xc7: {  	s4 =	rddreg [dreg:$0x8]  }
0xc8: {  	[tilespmem:s24], [sflag:$0x1] =	stream.indirect.gather [hbm4b:s4+s30], $0x1, s1, s30, $0xb8;
	[tilespmem:$0x2200] =	vst v63  }
0xc9: {  	s2 =	rddreg [dreg:$0x9]  }
0xca: {  	[tilespmem:s23], [sflag:$0x1] =	stream.indirect.gather [hbm4b:s2+s30], $0x1, s1, s30, $0xb8;
	[tilespmem:$0x2200] =	vst v63  }
0xcb: {  	s4 =	rddreg [dreg:$0xa]  }
0xcc: {  	[tilespmem:s22], [sflag:$0x1] =	stream.indirect.gather [hbm4b:s4+s30], $0x1, s1, s30, $0xb8;
	[tilespmem:$0x2200] =	vst v63  }
0xcd: {  	s2 =	rddreg [dreg:$0xb]  }
0xce: {  	[tilespmem:s21], [sflag:$0x1] =	stream.indirect.gather [hbm4b:s2+s30], $0x1, s1, s30, $0xb8;
	[tilespmem:$0x2200] =	vst v63  }
0xcf: {  	s4 =	rddreg [dreg:$0xc]  }
0xd0: {  	[tilespmem:s20], [sflag:$0x1] =	stream.indirect.gather [hbm4b:s4+s30], $0x1, s1, s30, $0xb8;
	[tilespmem:$0x2200] =	vst v63  }
0xd1: {  	s19 =	simm.s32 $0x1600;
	s2 =	rddreg [dreg:$0xd]  }
0xd2: {  	[tilespmem:s19], [sflag:$0x1] =	stream.indirect.gather [hbm4b:s2+s30], $0x1, s1, s30, $0xb8;
	[tilespmem:$0x2200] =	vst v63  }
0xd3: {  	s4 =	rddreg [dreg:$0xe];
	s19 =	simm.s32 $0x1800  }
0xd4: {  	[tilespmem:s19], [sflag:$0x1] =	stream.indirect.gather [hbm4b:s4+s30], $0x1, s1, s30, $0xb8;
	[tilespmem:$0x2200] =	vst v63  }
0xd5: {  	s18 =	simm.s32 $0x1A00;
	s2 =	rddreg [dreg:$0xf]  }
0xd6: {  	[tilespmem:s18], [sflag:$0x1] =	stream.indirect.gather [hbm4b:s2+s30], $0x1, s1, s30, $0xb8;
	[tilespmem:$0x2200] =	vst v63  }
0xd7: {  	s17 =	simm.s32 $0x1C00;
	s4 =	rddreg [dreg:$0x10]  }
0xd8: {  	[tilespmem:s17], [sflag:$0x1] =	stream.indirect.gather [hbm4b:s4+s30], $0x1, s1, s30, $0xb8;
	[tilespmem:$0x2200] =	vst v63  }
0xd9: {  	s16 =	simm.s32 $0x1E00;
	s2 =	rddreg [dreg:$0x11]  }
0xda: {  	[tilespmem:s16], [sflag:$0x1] =	stream.indirect.gather [hbm4b:s2+s30], $0x1, s1, s30, $0xb8;
	[tilespmem:$0x2200] =	vst v63  }
0xdb: {  	s14 =	simm.s32 $0x2000;
	s4 =	rddreg [dreg:$0x12]  }
0xdc: {  	[tilespmem:s14], [sflag:$0x1] =	stream.indirect.gather [hbm4b:s4+s30], $0x1, s1, s30, $0xb8;
	[tilespmem:$0x2200] =	vst v63  }
0xdd: {  	_ =	swait.ge [sflag:s31], $0x200  }
0xde: {  	[sflag:s31] =	ssyncset.done $0x0  }
0xdf: {  	[sflag:s31] =	ssyncadd.s32 $0xFFFFFE00  }
0xe0: {  	_ =	swait.ge [sflag:s31], $0x200  }
0xe1: {  	[sflag:s31] =	ssyncset.done $0x0  }
0xe2: {  	[sflag:s31] =	ssyncadd.s32 $0xFFFFFE00  }
0xe3: {  	_ =	swait.ge [sflag:s31], $0x200  }
0xe4: {  	[sflag:s31] =	ssyncset.done $0x0  }
0xe5: {  	[sflag:s31] =	ssyncadd.s32 $0xFFFFFE00  }
0xe6: {  	_ =	swait.ge [sflag:s31], $0x200  }
0xe7: {  	[sflag:s31] =	ssyncset.done $0x0  }
0xe8: {  	[sflag:s31] =	ssyncadd.s32 $0xFFFFFE00  }
0xe9: {  	_ =	swait.ge [sflag:s31], $0x200  }
0xea: {  	[sflag:s31] =	ssyncset.done $0x0  }
0xeb: {  	[sflag:s31] =	ssyncadd.s32 $0xFFFFFE00  }
0xec: {  	_ =	swait.ge [sflag:s31], $0x200  }
0xed: {  	[sflag:s31] =	ssyncset.done $0x0  }
0xee: {  	[sflag:s31] =	ssyncadd.s32 $0xFFFFFE00  }
0xef: {  	_ =	swait.ge [sflag:s31], $0x200  }
0xf0: {  	[sflag:s31] =	ssyncset.done $0x0  }
0xf1: {  	[sflag:s31] =	ssyncadd.s32 $0xFFFFFE00  }
0xf2: {  	_ =	swait.ge [sflag:s31], $0x200  }
0xf3: {  	[sflag:s31] =	ssyncset.done $0x0  }
0xf4: {  	[sflag:s31] =	ssyncadd.s32 $0xFFFFFE00  }
0xf5: {  	_ =	swait.ge [sflag:s31], $0x200  }
0xf6: {  	[sflag:s31] =	ssyncset.done $0x0  }
0xf7: {  	[sflag:s31] =	ssyncadd.s32 $0xFFFFFE00  }
0xf8: {  	_ =	swait.ge [sflag:s31], $0x200  }
0xf9: {  	[sflag:s31] =	ssyncset.done $0x0  }
0xfa: {  	[sflag:s31] =	ssyncadd.s32 $0xFFFFFE00  }
0xfb: {  	_ =	swait.ge [sflag:s31], $0x200  }
0xfc: {  	[sflag:s31] =	ssyncset.done $0x0  }
0xfd: {  	[sflag:s31] =	ssyncadd.s32 $0xFFFFFE00  }
0xfe: {  	_ =	swait.ge [sflag:s31], $0x200  }
0xff: {  	[sflag:s31] =	ssyncset.done $0x0  }
0x100: {  	[sflag:s31] =	ssyncadd.s32 $0xFFFFFE00  }
0x101: {  	_ =	swait.ge [sflag:s31], $0x200  }
0x102: {  	[sflag:s31] =	ssyncset.done $0x0  }
0x103: {  	[sflag:s31] =	ssyncadd.s32 $0xFFFFFE00  }
0x104: {  	_ =	swait.ge [sflag:s31], $0x200  }
0x105: {  	[sflag:s31] =	ssyncset.done $0x0  }
0x106: {  	[sflag:s31] =	ssyncadd.s32 $0xFFFFFE00  }
0x107: {  	_ =	swait.ge [sflag:s31], $0x200  }
0x108: {  	[sflag:s31] =	ssyncset.done $0x0  }
0x109: {  	[sflag:s31] =	ssyncadd.s32 $0xFFFFFE00  }
0x10a: {  	_ =	swait.ge [sflag:s31], $0x200  }
0x10b: {  	[sflag:s31] =	ssyncset.done $0x0  }
0x10c: {  	s2 =	rddreg [dreg:$0x14];
	[sflag:s31] =	ssyncadd.s32 $0xFFFFFE00  }
0x10d: {  	[hbm4b:s2+s1] =	stream.linear.scatter [tilespmem:s30], [sflag:$0x2], $0x200, $0x38;
	[tilespmem:$0x2200] =	vst v63  }
0x10e: {  	_ =	swait.ge [sflag:s3], $0x200  }
0x10f: {  	[sflag:s3] =	ssyncset.done $0x0  }
0x110: {  	s2 =	rddreg [dreg:$0x15];
	[sflag:s3] =	ssyncadd.s32 $0xFFFFFE00  }
0x111: {  	[hbm4b:s2+s1] =	stream.linear.scatter [tilespmem:s29], [sflag:$0x2], $0x200, $0x38;
	[tilespmem:$0x2200] =	vst v63  }
0x112: {  	_ =	swait.ge [sflag:s3], $0x200  }
0x113: {  	[sflag:s3] =	ssyncset.done $0x0  }
0x114: {  	s2 =	rddreg [dreg:$0x16];
	[sflag:s3] =	ssyncadd.s32 $0xFFFFFE00  }
0x115: {  	[hbm4b:s2+s1] =	stream.linear.scatter [tilespmem:s28], [sflag:$0x2], $0x200, $0x38;
	[tilespmem:$0x2200] =	vst v63  }
0x116: {  	_ =	swait.ge [sflag:s3], $0x200  }
0x117: {  	[sflag:s3] =	ssyncset.done $0x0  }
0x118: {  	s2 =	rddreg [dreg:$0x17];
	[sflag:s3] =	ssyncadd.s32 $0xFFFFFE00  }
0x119: {  	[hbm4b:s2+s1] =	stream.linear.scatter [tilespmem:s26], [sflag:$0x2], $0x200, $0x38;
	[tilespmem:$0x2200] =	vst v63  }
0x11a: {  	_ =	swait.ge [sflag:s3], $0x200  }
0x11b: {  	[sflag:s3] =	ssyncset.done $0x0  }
0x11c: {  	s2 =	rddreg [dreg:$0x18];
	[sflag:s3] =	ssyncadd.s32 $0xFFFFFE00  }
0x11d: {  	[hbm4b:s2+s1] =	stream.linear.scatter [tilespmem:s25], [sflag:$0x2], $0x200, $0x38;
	[tilespmem:$0x2200] =	vst v63  }
0x11e: {  	_ =	swait.ge [sflag:s3], $0x200  }
0x11f: {  	[sflag:s3] =	ssyncset.done $0x0  }
0x120: {  	s2 =	rddreg [dreg:$0x19];
	[sflag:s3] =	ssyncadd.s32 $0xFFFFFE00  }
0x121: {  	[hbm4b:s2+s1] =	stream.linear.scatter [tilespmem:s24], [sflag:$0x2], $0x200, $0x38;
	[tilespmem:$0x2200] =	vst v63  }
0x122: {  	_ =	swait.ge [sflag:s3], $0x200  }
0x123: {  	[sflag:s3] =	ssyncset.done $0x0  }
0x124: {  	[sflag:s3] =	ssyncadd.s32 $0xFFFFFE00  }
0x125: {  	[hbm4b:s15+s1] =	stream.linear.scatter [tilespmem:s23], [sflag:$0x2], $0x200, $0x38;
	[tilespmem:$0x2200] =	vst v63  }
0x126: {  	_ =	swait.ge [sflag:s3], $0x200  }
0x127: {  	[sflag:s3] =	ssyncset.done $0x0  }
0x128: {  	s4 =	smov.u32 s5;
	s5 =	smov.u32 s6;
	[sflag:s3] =	ssyncadd.s32 $0xFFFFFE00  }
0x129: {  	[hbm4b:s13+s1] =	stream.linear.scatter [tilespmem:s22], [sflag:$0x2], $0x200, $0x38;
	[tilespmem:$0x2200] =	vst v63  }
0x12a: {  	s6 =	smov.u32 s7;
	s7 =	smov.u32 s8;
	_ =	swait.ge [sflag:s3], $0x200  }
0x12b: {  	s8 =	smov.u32 s9;
	s9 =	smov.u32 s10;
	[sflag:s3] =	ssyncset.done $0x0  }
0x12c: {  	s10 =	smov.u32 s11;
	s11 =	smov.u32 s12;
	[sflag:s3] =	ssyncadd.s32 $0xFFFFFE00  }
0x12d: {  	[hbm4b:s11+s1] =	stream.linear.scatter [tilespmem:s21], [sflag:$0x2], $0x200, $0x38;
	[tilespmem:$0x2200] =	vst v63  }
0x12e: {  	_ =	swait.ge [sflag:s3], $0x200  }
0x12f: {  	[sflag:s3] =	ssyncset.done $0x0  }
0x130: {  	[sflag:s3] =	ssyncadd.s32 $0xFFFFFE00  }
0x131: {  	[hbm4b:s10+s1] =	stream.linear.scatter [tilespmem:s20], [sflag:$0x2], $0x200, $0x38;
	[tilespmem:$0x2200] =	vst v63  }
0x132: {  	_ =	swait.ge [sflag:s3], $0x200  }
0x133: {  	[sflag:s3] =	ssyncset.done $0x0  }
0x134: {  	s18 =	simm.s32 $0x1600;
	[sflag:s3] =	ssyncadd.s32 $0xFFFFFE00  }
0x135: {  	[hbm4b:s9+s1] =	stream.linear.scatter [tilespmem:s18], [sflag:$0x2], $0x200, $0x38;
	[tilespmem:$0x2200] =	vst v63  }
0x136: {  	_ =	swait.ge [sflag:s3], $0x200  }
0x137: {  	[sflag:s3] =	ssyncset.done $0x0  }
0x138: {  	[sflag:s3] =	ssyncadd.s32 $0xFFFFFE00  }
0x139: {  	[hbm4b:s8+s1] =	stream.linear.scatter [tilespmem:s19], [sflag:$0x2], $0x200, $0x38;
	[tilespmem:$0x2200] =	vst v63  }
0x13a: {  	_ =	swait.ge [sflag:s3], $0x200  }
0x13b: {  	[sflag:s3] =	ssyncset.done $0x0  }
0x13c: {  	s17 =	simm.s32 $0x1A00;
	[sflag:s3] =	ssyncadd.s32 $0xFFFFFE00  }
0x13d: {  	[hbm4b:s7+s1] =	stream.linear.scatter [tilespmem:s17], [sflag:$0x2], $0x200, $0x38;
	[tilespmem:$0x2200] =	vst v63  }
0x13e: {  	_ =	swait.ge [sflag:s3], $0x200  }
0x13f: {  	[sflag:s3] =	ssyncset.done $0x0  }
0x140: {  	s16 =	simm.s32 $0x1C00;
	[sflag:s3] =	ssyncadd.s32 $0xFFFFFE00  }
0x141: {  	[hbm4b:s6+s1] =	stream.linear.scatter [tilespmem:s16], [sflag:$0x2], $0x200, $0x38;
	[tilespmem:$0x2200] =	vst v63  }
0x142: {  	_ =	swait.ge [sflag:s3], $0x200  }
0x143: {  	[sflag:s3] =	ssyncset.done $0x0  }
0x144: {  	s14 =	simm.s32 $0x1E00;
	[sflag:s3] =	ssyncadd.s32 $0xFFFFFE00  }
0x145: {  	[hbm4b:s5+s1] =	stream.linear.scatter [tilespmem:s14], [sflag:$0x2], $0x200, $0x38;
	[tilespmem:$0x2200] =	vst v63  }
0x146: {  	p1 =	sne.s32 s0, $0x1;
	_ =	swait.ge [sflag:s3], $0x200  }
.Ltmp2:
0x147: {  	[sflag:s3] =	ssyncset.done $0x0;
	(pc) =	sbr.rel @p1 .LBB2_2-.Ltmp2, $4  }
0x148: {  	s12 =	simm.s32 $0x2000;
	[sflag:s3] =	ssyncadd.s32 $0xFFFFFE00  }
0x149: {  	[hbm4b:s4+s1] =	stream.linear.scatter [tilespmem:s12], [sflag:$0x2], $0x200, $0x38;
	[tilespmem:$0x2200] =	vst v63  }
0x14a: {  	_ =	swait.ge [sflag:s3], $0x200  }
0x14b: {  	s0 =	sadd.s32 $0xFFFFFFFF, s0;
	s2 =	rddreg [dreg:$0x13];
	[sflag:s3] =	ssyncset.done $0x0  }
.LBB2_3:
0x14c: {  	[sflag:s3] =	ssyncadd.s32 @p0 $0xFFFFFE00  }
0x14d: {  	[tilespmem:s1], [sflag:$0x2] =	stream.linear.gather [hbm4b:s2+s1], $0x200, $0x38;
	[tilespmem:$0x2200] =	vst v63  }
0x14e: {  	_ =	swait.ge [sflag:s3], $0x200  }
0x14f: {  	[sflag:s3] =	ssyncset.done $0x0  }
0x150: {  	s0 =	rddreg [dreg:$0x3];
	[sflag:s3] =	ssyncadd.s32 $0xFFFFFE00  }
0x151: {  	[tilespmem:s30], [sflag:$0x1] =	stream.indirect.gather [hbm4b:s0+s30], $0x1, s1, s30, $0xb8;
	[tilespmem:$0x2200] =	vst v63  }
0x152: {  	s2 =	rddreg [dreg:$0x4]  }
0x153: {  	[tilespmem:s29], [sflag:$0x1] =	stream.indirect.gather [hbm4b:s2+s30], $0x1, s1, s30, $0xb8;
	[tilespmem:$0x2200] =	vst v63  }
0x154: {  	s0 =	rddreg [dreg:$0x5]  }
0x155: {  	[tilespmem:s28], [sflag:$0x1] =	stream.indirect.gather [hbm4b:s0+s30], $0x1, s1, s30, $0xb8;
	[tilespmem:$0x2200] =	vst v63  }
0x156: {  	s2 =	rddreg [dreg:$0x6]  }
0x157: {  	[tilespmem:s26], [sflag:$0x1] =	stream.indirect.gather [hbm4b:s2+s30], $0x1, s1, s30, $0xb8;
	[tilespmem:$0x2200] =	vst v63  }
0x158: {  	s0 =	rddreg [dreg:$0x7]  }
0x159: {  	[tilespmem:s25], [sflag:$0x1] =	stream.indirect.gather [hbm4b:s0+s30], $0x1, s1, s30, $0xb8;
	[tilespmem:$0x2200] =	vst v63  }
0x15a: {  	s2 =	rddreg [dreg:$0x8]  }
0x15b: {  	[tilespmem:s24], [sflag:$0x1] =	stream.indirect.gather [hbm4b:s2+s30], $0x1, s1, s30, $0xb8;
	[tilespmem:$0x2200] =	vst v63  }
0x15c: {  	s0 =	rddreg [dreg:$0x9]  }
0x15d: {  	[tilespmem:s23], [sflag:$0x1] =	stream.indirect.gather [hbm4b:s0+s30], $0x1, s1, s30, $0xb8;
	[tilespmem:$0x2200] =	vst v63  }
0x15e: {  	s2 =	rddreg [dreg:$0xa]  }
0x15f: {  	[tilespmem:s22], [sflag:$0x1] =	stream.indirect.gather [hbm4b:s2+s30], $0x1, s1, s30, $0xb8;
	[tilespmem:$0x2200] =	vst v63  }
0x160: {  	s0 =	rddreg [dreg:$0xb]  }
0x161: {  	[tilespmem:s21], [sflag:$0x1] =	stream.indirect.gather [hbm4b:s0+s30], $0x1, s1, s30, $0xb8;
	[tilespmem:$0x2200] =	vst v63  }
0x162: {  	s2 =	rddreg [dreg:$0xc]  }
0x163: {  	[tilespmem:s20], [sflag:$0x1] =	stream.indirect.gather [hbm4b:s2+s30], $0x1, s1, s30, $0xb8;
	[tilespmem:$0x2200] =	vst v63  }
0x164: {  	s0 =	rddreg [dreg:$0xd]  }
0x165: {  	[tilespmem:s18], [sflag:$0x1] =	stream.indirect.gather [hbm4b:s0+s30], $0x1, s1, s30, $0xb8;
	[tilespmem:$0x2200] =	vst v63  }
0x166: {  	s2 =	rddreg [dreg:$0xe]  }
0x167: {  	[tilespmem:s19], [sflag:$0x1] =	stream.indirect.gather [hbm4b:s2+s30], $0x1, s1, s30, $0xb8;
	[tilespmem:$0x2200] =	vst v63  }
0x168: {  	s0 =	rddreg [dreg:$0xf]  }
0x169: {  	[tilespmem:s17], [sflag:$0x1] =	stream.indirect.gather [hbm4b:s0+s30], $0x1, s1, s30, $0xb8;
	[tilespmem:$0x2200] =	vst v63  }
0x16a: {  	s2 =	rddreg [dreg:$0x10]  }
0x16b: {  	[tilespmem:s16], [sflag:$0x1] =	stream.indirect.gather [hbm4b:s2+s30], $0x1, s1, s30, $0xb8;
	[tilespmem:$0x2200] =	vst v63  }
0x16c: {  	s0 =	rddreg [dreg:$0x11]  }
0x16d: {  	[tilespmem:s14], [sflag:$0x1] =	stream.indirect.gather [hbm4b:s0+s30], $0x1, s1, s30, $0xb8;
	[tilespmem:$0x2200] =	vst v63  }
0x16e: {  	s2 =	rddreg [dreg:$0x12]  }
0x16f: {  	[tilespmem:s12], [sflag:$0x1] =	stream.indirect.gather [hbm4b:s2+s30], $0x1, s1, s30, $0xb8;
	[tilespmem:$0x2200] =	vst v63  }
0x170: {  	_ =	swait.ge [sflag:s31], $0x200  }
0x171: {  	[sflag:s31] =	ssyncset.done $0x0  }
0x172: {  	[sflag:s31] =	ssyncadd.s32 $0xFFFFFE00  }
0x173: {  	_ =	swait.ge [sflag:s31], $0x200  }
0x174: {  	[sflag:s31] =	ssyncset.done $0x0  }
0x175: {  	[sflag:s31] =	ssyncadd.s32 $0xFFFFFE00  }
0x176: {  	_ =	swait.ge [sflag:s31], $0x200  }
0x177: {  	[sflag:s31] =	ssyncset.done $0x0  }
0x178: {  	[sflag:s31] =	ssyncadd.s32 $0xFFFFFE00  }
0x179: {  	_ =	swait.ge [sflag:s31], $0x200  }
0x17a: {  	[sflag:s31] =	ssyncset.done $0x0  }
0x17b: {  	[sflag:s31] =	ssyncadd.s32 $0xFFFFFE00  }
0x17c: {  	_ =	swait.ge [sflag:s31], $0x200  }
0x17d: {  	[sflag:s31] =	ssyncset.done $0x0  }
0x17e: {  	[sflag:s31] =	ssyncadd.s32 $0xFFFFFE00  }
0x17f: {  	_ =	swait.ge [sflag:s31], $0x200  }
0x180: {  	[sflag:s31] =	ssyncset.done $0x0  }
0x181: {  	[sflag:s31] =	ssyncadd.s32 $0xFFFFFE00  }
0x182: {  	_ =	swait.ge [sflag:s31], $0x200  }
0x183: {  	[sflag:s31] =	ssyncset.done $0x0  }
0x184: {  	[sflag:s31] =	ssyncadd.s32 $0xFFFFFE00  }
0x185: {  	_ =	swait.ge [sflag:s31], $0x200  }
0x186: {  	[sflag:s31] =	ssyncset.done $0x0  }
0x187: {  	[sflag:s31] =	ssyncadd.s32 $0xFFFFFE00  }
0x188: {  	_ =	swait.ge [sflag:s31], $0x200  }
0x189: {  	[sflag:s31] =	ssyncset.done $0x0  }
0x18a: {  	[sflag:s31] =	ssyncadd.s32 $0xFFFFFE00  }
0x18b: {  	_ =	swait.ge [sflag:s31], $0x200  }
0x18c: {  	[sflag:s31] =	ssyncset.done $0x0  }
0x18d: {  	[sflag:s31] =	ssyncadd.s32 $0xFFFFFE00  }
0x18e: {  	_ =	swait.ge [sflag:s31], $0x200  }
0x18f: {  	[sflag:s31] =	ssyncset.done $0x0  }
0x190: {  	[sflag:s31] =	ssyncadd.s32 $0xFFFFFE00  }
0x191: {  	_ =	swait.ge [sflag:s31], $0x200  }
0x192: {  	[sflag:s31] =	ssyncset.done $0x0  }
0x193: {  	[sflag:s31] =	ssyncadd.s32 $0xFFFFFE00  }
0x194: {  	_ =	swait.ge [sflag:s31], $0x200  }
0x195: {  	[sflag:s31] =	ssyncset.done $0x0  }
0x196: {  	[sflag:s31] =	ssyncadd.s32 $0xFFFFFE00  }
0x197: {  	_ =	swait.ge [sflag:s31], $0x200  }
0x198: {  	[sflag:s31] =	ssyncset.done $0x0  }
0x199: {  	[sflag:s31] =	ssyncadd.s32 $0xFFFFFE00  }
0x19a: {  	_ =	swait.ge [sflag:s31], $0x200  }
0x19b: {  	[sflag:s31] =	ssyncset.done $0x0  }
0x19c: {  	[sflag:s31] =	ssyncadd.s32 $0xFFFFFE00  }
0x19d: {  	_ =	swait.ge [sflag:s31], $0x200  }
0x19e: {  	[sflag:s31] =	ssyncset.done $0x0  }
0x19f: {  	s2 =	rddreg [dreg:$0x14];
	[sflag:s31] =	ssyncadd.s32 $0xFFFFFE00  }
0x1a0: {  	[hbm4b:s2+s1] =	stream.linear.scatter [tilespmem:s30], [sflag:$0x2], $0x200, $0x38;
	[tilespmem:$0x2200] =	vst v63  }
0x1a1: {  	_ =	swait.ge [sflag:s3], $0x200  }
0x1a2: {  	[sflag:s3] =	ssyncset.done $0x0  }
0x1a3: {  	s31 =	rddreg [dreg:$0x15];
	[sflag:s3] =	ssyncadd.s32 $0xFFFFFE00  }
0x1a4: {  	[hbm4b:s31+s1] =	stream.linear.scatter [tilespmem:s29], [sflag:$0x2], $0x200, $0x38;
	[tilespmem:$0x2200] =	vst v63  }
0x1a5: {  	_ =	swait.ge [sflag:s3], $0x200  }
0x1a6: {  	[sflag:s3] =	ssyncset.done $0x0  }
0x1a7: {  	s2 =	rddreg [dreg:$0x16];
	[sflag:s3] =	ssyncadd.s32 $0xFFFFFE00  }
0x1a8: {  	[hbm4b:s2+s1] =	stream.linear.scatter [tilespmem:s28], [sflag:$0x2], $0x200, $0x38;
	[tilespmem:$0x2200] =	vst v63  }
0x1a9: {  	_ =	swait.ge [sflag:s3], $0x200  }
0x1aa: {  	[sflag:s3] =	ssyncset.done $0x0  }
0x1ab: {  	s28 =	rddreg [dreg:$0x17];
	[sflag:s3] =	ssyncadd.s32 $0xFFFFFE00  }
0x1ac: {  	[hbm4b:s28+s1] =	stream.linear.scatter [tilespmem:s26], [sflag:$0x2], $0x200, $0x38;
	[tilespmem:$0x2200] =	vst v63  }
0x1ad: {  	_ =	swait.ge [sflag:s3], $0x200  }
0x1ae: {  	[sflag:s3] =	ssyncset.done $0x0  }
0x1af: {  	s29 =	rddreg [dreg:$0x18];
	[sflag:s3] =	ssyncadd.s32 $0xFFFFFE00  }
0x1b0: {  	[hbm4b:s29+s1] =	stream.linear.scatter [tilespmem:s25], [sflag:$0x2], $0x200, $0x38;
	[tilespmem:$0x2200] =	vst v63  }
0x1b1: {  	_ =	swait.ge [sflag:s3], $0x200  }
0x1b2: {  	[sflag:s3] =	ssyncset.done $0x0  }
0x1b3: {  	s30 =	rddreg [dreg:$0x19];
	[sflag:s3] =	ssyncadd.s32 $0xFFFFFE00  }
0x1b4: {  	[hbm4b:s30+s1] =	stream.linear.scatter [tilespmem:s24], [sflag:$0x2], $0x200, $0x38;
	[tilespmem:$0x2200] =	vst v63  }
0x1b5: {  	_ =	swait.ge [sflag:s3], $0x200  }
0x1b6: {  	[sflag:s3] =	ssyncset.done $0x0  }
0x1b7: {  	[sflag:s3] =	ssyncadd.s32 $0xFFFFFE00  }
0x1b8: {  	[hbm4b:s15+s1] =	stream.linear.scatter [tilespmem:s23], [sflag:$0x2], $0x200, $0x38;
	[tilespmem:$0x2200] =	vst v63  }
0x1b9: {  	_ =	swait.ge [sflag:s3], $0x200  }
0x1ba: {  	[sflag:s3] =	ssyncset.done $0x0  }
0x1bb: {  	[sflag:s3] =	ssyncadd.s32 $0xFFFFFE00  }
0x1bc: {  	[hbm4b:s13+s1] =	stream.linear.scatter [tilespmem:s22], [sflag:$0x2], $0x200, $0x38;
	[tilespmem:$0x2200] =	vst v63  }
0x1bd: {  	_ =	swait.ge [sflag:s3], $0x200  }
0x1be: {  	[sflag:s3] =	ssyncset.done $0x0  }
0x1bf: {  	[sflag:s3] =	ssyncadd.s32 $0xFFFFFE00  }
0x1c0: {  	[hbm4b:s11+s1] =	stream.linear.scatter [tilespmem:s21], [sflag:$0x2], $0x200, $0x38;
	[tilespmem:$0x2200] =	vst v63  }
0x1c1: {  	_ =	swait.ge [sflag:s3], $0x200  }
0x1c2: {  	[sflag:s3] =	ssyncset.done $0x0  }
0x1c3: {  	[sflag:s3] =	ssyncadd.s32 $0xFFFFFE00  }
0x1c4: {  	[hbm4b:s10+s1] =	stream.linear.scatter [tilespmem:s20], [sflag:$0x2], $0x200, $0x38;
	[tilespmem:$0x2200] =	vst v63  }
0x1c5: {  	_ =	swait.ge [sflag:s3], $0x200  }
0x1c6: {  	[sflag:s3] =	ssyncset.done $0x0  }
0x1c7: {  	[sflag:s3] =	ssyncadd.s32 $0xFFFFFE00  }
0x1c8: {  	[hbm4b:s9+s1] =	stream.linear.scatter [tilespmem:s18], [sflag:$0x2], $0x200, $0x38;
	[tilespmem:$0x2200] =	vst v63  }
0x1c9: {  	_ =	swait.ge [sflag:s3], $0x200  }
0x1ca: {  	[sflag:s3] =	ssyncset.done $0x0  }
0x1cb: {  	[sflag:s3] =	ssyncadd.s32 $0xFFFFFE00  }
0x1cc: {  	[hbm4b:s8+s1] =	stream.linear.scatter [tilespmem:s19], [sflag:$0x2], $0x200, $0x38;
	[tilespmem:$0x2200] =	vst v63  }
0x1cd: {  	_ =	swait.ge [sflag:s3], $0x200  }
0x1ce: {  	[sflag:s3] =	ssyncset.done $0x0  }
0x1cf: {  	[sflag:s3] =	ssyncadd.s32 $0xFFFFFE00  }
0x1d0: {  	[hbm4b:s7+s1] =	stream.linear.scatter [tilespmem:s17], [sflag:$0x2], $0x200, $0x38;
	[tilespmem:$0x2200] =	vst v63  }
0x1d1: {  	_ =	swait.ge [sflag:s3], $0x200  }
0x1d2: {  	[sflag:s3] =	ssyncset.done $0x0  }
0x1d3: {  	[sflag:s3] =	ssyncadd.s32 $0xFFFFFE00  }
0x1d4: {  	[hbm4b:s6+s1] =	stream.linear.scatter [tilespmem:s16], [sflag:$0x2], $0x200, $0x38;
	[tilespmem:$0x2200] =	vst v63  }
0x1d5: {  	_ =	swait.ge [sflag:s3], $0x200  }
0x1d6: {  	[sflag:s3] =	ssyncset.done $0x0  }
0x1d7: {  	[sflag:s3] =	ssyncadd.s32 $0xFFFFFE00  }
0x1d8: {  	[hbm4b:s5+s1] =	stream.linear.scatter [tilespmem:s14], [sflag:$0x2], $0x200, $0x38;
	[tilespmem:$0x2200] =	vst v63  }
0x1d9: {  	_ =	swait.ge [sflag:s3], $0x200  }
0x1da: {  	[sflag:s3] =	ssyncset.done $0x0  }
0x1db: {  	[sflag:s3] =	ssyncadd.s32 $0xFFFFFE00  }
0x1dc: {  	[hbm4b:s4+s1] =	stream.linear.scatter [tilespmem:s12], [sflag:$0x2], $0x200, $0x38;
	[tilespmem:$0x2200] =	vst v63  }
0x1dd: {  	_ =	swait.ge [sflag:s3], $0x200  }
0x1de: {  	[sflag:s3] =	ssyncset.done $0x0  }
0x1df: {  	[sflag:s3] =	ssyncadd.s32 $0xFFFFFE00  }
0x1e0: {  	_ =	sfence.sel $0x180000  }
0x1e1: {  	[bflag:$0x0] =	sbarrier.arrive $0xFFFF  }
0x1e2: {  	_ =	strace $0x90000047  }
0x1e3: {  	s31 =	stileid.u32;
	[bflag:$0x2] =	sbarrier.arrive $0xFFFF  }
0x1e4: {  	p0 =	sne.s32 s31, $0x0;
	s0 =	rddreg [dreg:$0x2]  }
0x1e5: {  	s0 =	sadd.s32 @!p0 $0x100000, s0  }
0x1e6: {  	[sflag:s0] =	ssyncadd.tile.s32 @!p0 $0x1;
	_ =	shalt  }
.Lfunc_end2:
_tile_overlayer_lowered:
.L_overlay_start_2:
0x1e7: {  	(tag) =	ssettag $0x2  }
0x1e8: {  	s0 =	rddreg [dreg:$0x0];
	s2 =	stileid.u32  }
0x1e9: {  	s1 =	rddreg [dreg:$0x1];
	p0 =	sne.s32 s2, $0x0  }
0x1ea: {  	s3 =	rddreg [dreg:$0x2];
	[bflag:$0x3] =	sbarrier.arrive $0xFFFF;
	s2 =	simm.s32 @!p0 $0x1C02  }
0x1eb: {  	[timem:s3], [sflag:s2] =	dma.local @!p0 [hbm:s0], s1  }
0x1ec: {  	s0 =	simm.s32 @!p0 $0x2  }
0x1ed: {  	_ =	swait.ge @!p0 [sflag:s0], s1  }
0x1ee: {  	s1 =	ssub.s32 @!p0 $0x0, s1;
	[sflag:s0] =	ssyncset.done @!p0 $0x0  }
0x1ef: {  	[sflag:s0] =	ssyncadd.s32 @!p0 s1  }
0x1f0: {  	[bflag:$0x3] =	sbarrier.arrive $0xFFFF  }
0x1f1: {  	_ =	shalt  }

</sc_bundles>
